<compile_context>
chip_gen: v7x
topology: tpu7x:2x2x1
jax: 0.10.2.dev20260603
libtpu: 0.0.44.dev20260713+nightly
codegen_flags: <defaults>
</compile_context>

<pallas_src>
import functools

import jax
import jax.numpy as jnp
import numpy as np
from jax import lax
from jax.experimental import pallas as pl
from jax.experimental.pallas import tpu as pltpu
from jax.experimental.pallas import tpu_sc as plsc

NUM_CODES = 8192
CODE_DIM = 256
HALF = CODE_DIM // 2
B, C, T = 16, 9, 1024

CODE_TILE = 2048
NJ = NUM_CODES // CODE_TILE


def _hilbert_matrix_t(t: int) -> np.ndarray:
    h = np.zeros((t,), dtype=np.float64)
    h[0] = 1.0
    h[1 : t // 2] = 2.0
    if t % 2 == 0:
        h[t // 2] = 1.0
    f = np.fft.fft(np.eye(t))
    m = np.fft.ifft(h[:, None] * f, axis=0).imag
    return np.ascontiguousarray(m.T).astype(np.float32)


_HILB_MT = _hilbert_matrix_t(T)


def _feat_body(x_ref, mt_ref, wm_ref, bm_ref, wp_ref, bp_ref,
               feat_out, f2_out, ph_out):
    x = x_ref[0]
    hx = jnp.dot(x, mt_ref[...], precision=lax.Precision.HIGHEST,
                 preferred_element_type=jnp.float32)
    ph = jnp.arctan2(hx, x)
    phases = jnp.mean(ph, axis=0, keepdims=True)
    ph_out[0] = phases
    mag_t = jnp.dot(wm_ref[...], x, preferred_element_type=jnp.float32)
    mag_t = mag_t + bm_ref[...]
    combined = jnp.concatenate(
        [x[:7, :], jnp.cos(phases), jnp.sin(phases)], axis=0)
    ph_t = jnp.dot(wp_ref[...], combined, preferred_element_type=jnp.float32)
    ph_t = ph_t + bp_ref[...]
    feat = jnp.concatenate([mag_t, ph_t], axis=0)
    feat_out[0] = feat
    f2_out[0] = jnp.sum(feat * feat, axis=0, keepdims=True)


def _features_tc(imu_signal, mt, w_mag, b_mag_col, w_phase, b_phase_col):
    return pl.pallas_call(
        _feat_body,
        grid=(B,),
        in_specs=[
            pl.BlockSpec((1, C, T), lambda i: (i, 0, 0)),
            pl.BlockSpec((T, T), lambda i: (0, 0)),
            pl.BlockSpec((HALF, C), lambda i: (0, 0)),
            pl.BlockSpec((HALF, 1), lambda i: (0, 0)),
            pl.BlockSpec((HALF, C), lambda i: (0, 0)),
            pl.BlockSpec((HALF, 1), lambda i: (0, 0)),
        ],
        out_specs=[
            pl.BlockSpec((1, CODE_DIM, T), lambda i: (i, 0, 0)),
            pl.BlockSpec((1, 1, T), lambda i: (i, 0, 0)),
            pl.BlockSpec((1, 1, T), lambda i: (i, 0, 0)),
        ],
        out_shape=[
            jax.ShapeDtypeStruct((B, CODE_DIM, T), jnp.float32),
            jax.ShapeDtypeStruct((B, 1, T), jnp.float32),
            jax.ShapeDtypeStruct((B, 1, T), jnp.float32),
        ],
        compiler_params=pltpu.CompilerParams(
            dimension_semantics=("parallel",)),
    )(imu_signal, mt, w_mag, b_mag_col, w_phase, b_phase_col)


def _vq_body(feat_ref, f2_ref, cb_ref, idx_out, best_d2, best_idx):
    j = pl.program_id(1)
    cb = cb_ref[...]
    cross = jnp.dot(cb, feat_ref[0], preferred_element_type=jnp.float32)
    c2 = jnp.sum(cb * cb, axis=1, keepdims=True)
    d2 = (f2_ref[0] + c2) - 2.0 * cross
    score = jnp.sqrt(jnp.maximum(d2, 0.0))
    loc_min_d2 = jnp.min(d2, axis=0, keepdims=True)
    loc_min = jnp.sqrt(jnp.maximum(loc_min_d2, 0.0))
    loc_arg = (jnp.argmin(score, axis=0, keepdims=True).astype(jnp.int32)
               + j * CODE_TILE)

    @pl.when(j == 0)
    def _init():
        best_d2[...] = loc_min
        best_idx[...] = loc_arg

    @pl.when(j > 0)
    def _update():
        bd = best_d2[...]
        upd = loc_min < bd
        best_d2[...] = jnp.where(upd, loc_min, bd)
        best_idx[...] = jnp.where(upd, loc_arg, best_idx[...])

    @pl.when(j == NJ - 1)
    def _emit():
        idx_out[0] = best_idx[...]


def _vq_tc(feats, f2, codebook):
    return pl.pallas_call(
        _vq_body,
        grid=(B, NJ),
        in_specs=[
            pl.BlockSpec((1, CODE_DIM, T), lambda i, j: (i, 0, 0)),
            pl.BlockSpec((1, 1, T), lambda i, j: (i, 0, 0)),
            pl.BlockSpec((CODE_TILE, CODE_DIM), lambda i, j: (j, 0)),
        ],
        out_specs=pl.BlockSpec((1, 1, T), lambda i, j: (i, 0, 0)),
        out_shape=jax.ShapeDtypeStruct((B, 1, T), jnp.int32),
        scratch_shapes=[
            pltpu.VMEM((1, T), jnp.float32),
            pltpu.VMEM((1, T), jnp.int32),
        ],
        compiler_params=pltpu.CompilerParams(
            dimension_semantics=("arbitrary", "arbitrary")),
    )(feats, f2, codebook)


def _sc_gather(codebook, idx_flat):
    info = plsc.get_sparse_core_info()
    nw = info.num_cores * info.num_subcores
    rows_per_w = (B * T) // nw
    chunk = 64
    nchunks = rows_per_w // chunk
    nbuf = 4

    @functools.partial(
        pl.kernel,
        mesh=plsc.VectorSubcoreMesh(core_axis_name="c", subcore_axis_name="s"),
        out_type=jax.ShapeDtypeStruct((B * T, CODE_DIM), jnp.float32),
        scratch_types=[
            pltpu.VMEM((rows_per_w,), jnp.int32),
        ]
        + [pltpu.VMEM((chunk, CODE_DIM), jnp.float32) for _ in range(nbuf)]
        + [pltpu.SemaphoreType.DMA for _ in range(nbuf)],
    )
    def gather_k(cb_hbm, idx_hbm, out_hbm, idx_v, *bufs_sems):
        bufs, sems = bufs_sems[:nbuf], bufs_sems[nbuf:]
        wid = lax.axis_index("s") * info.num_cores + lax.axis_index("c")
        base = wid * rows_per_w
        pltpu.sync_copy(idx_hbm.at[pl.ds(base, rows_per_w)], idx_v)

        def fire(t):
            return pltpu.async_copy(
                cb_hbm.at[idx_v.at[pl.ds(t * chunk, chunk)]],
                bufs[t % nbuf], sems[t % nbuf])

        inflight = [fire(t) for t in range(nbuf)]
        for t in range(nchunks):
            inflight[t % nbuf].wait()
            pltpu.sync_copy(bufs[t % nbuf],
                            out_hbm.at[pl.ds(base + t * chunk, chunk)])
            if t + nbuf < nchunks:
                inflight[t % nbuf] = fire(t + nbuf)

    return gather_k(codebook, idx_flat)


def kernel(imu_signal, W_mag, b_mag, W_phase, b_phase, codebook):
    mt = jnp.asarray(_HILB_MT)
    feats, f2, ph3 = _features_tc(imu_signal, mt, W_mag,
                                  b_mag.reshape(HALF, 1), W_phase,
                                  b_phase.reshape(HALF, 1))
    idx3 = _vq_tc(feats, f2, codebook)
    indices = idx3.reshape(B, T)
    phases = ph3.reshape(B, T)
    quantized = _sc_gather(codebook, idx3.reshape(B * T))
    return quantized.reshape(B, T, CODE_DIM), indices, phases

# --- scband reference (transcript-rebuilt; emitter-appended) ---
"""Pipeline reference for scband-phase-aware-quantization-72602127172073 (READ-ONLY COPY).

The authoritative reference and input builder live on the scoring server;
editing this copy changes nothing except your own understanding.
"""

import jax, jax.numpy as jnp
import numpy as np

NUM_CODES = 8192
CODE_DIM = 256
HALF = CODE_DIM // 2
B, C, T = 16, 9, 1024


def setup_inputs(seed: int = 0) -> dict:
    key = jax.random.key(seed)
    ks = jax.random.split(key, 6)
    imu_signal = jax.random.normal(ks[0], (B, C, T), dtype=jnp.float32)
    W_mag = jax.random.normal(ks[1], (HALF, 9), dtype=jnp.float32) * (1.0 / np.sqrt(9))
    b_mag = jax.random.normal(ks[2], (HALF,), dtype=jnp.float32) * 0.01
    W_phase = jax.random.normal(ks[3], (HALF, 9), dtype=jnp.float32) * (1.0 / np.sqrt(9))
    b_phase = jax.random.normal(ks[4], (HALF,), dtype=jnp.float32) * 0.01
    codebook = jax.random.normal(ks[5], (NUM_CODES, CODE_DIM), dtype=jnp.float32)
    return {"imu_signal": imu_signal, "W_mag": W_mag, "b_mag": b_mag,
            "W_phase": W_phase, "b_phase": b_phase, "codebook": codebook}


def _extract_phase(imu_signal):
    # Hilbert transform via FFT: analytic signal, then instantaneous phase
    _, _, t = imu_signal.shape
    signal_fft = jnp.fft.fft(imu_signal, axis=-1)
    h = np.zeros((t,), dtype=np.float32)
    h[0] = 1.0
    h[1:t // 2] = 2.0
    if t % 2 == 0:
        h[t // 2] = 1.0
    analytic = jnp.fft.ifft(signal_fft * jnp.asarray(h), axis=-1)
    phase = jnp.angle(analytic)
    return phase.mean(axis=1)  # (B, T)


def reference(imu_signal, W_mag, b_mag, W_phase, b_phase, codebook):
    phases = _extract_phase(imu_signal)  # (B, T)
    magnitude = jnp.linalg.norm(imu_signal, axis=1)  # computed in torch forward (unused)
    imu_permuted = jnp.transpose(imu_signal, (0, 2, 1))  # (B, T, 9)
    mag_features = imu_permuted @ W_mag.T + b_mag  # (B, T, HALF)
    phase_input = jnp.stack([jnp.cos(phases), jnp.sin(phases)], axis=-1)  # (B, T, 2)
    combined_input = jnp.concatenate([imu_permuted[:, :, :7], phase_input], axis=-1)  # (B, T, 9)
    phase_features = combined_input @ W_phase.T + b_phase  # (B, T, HALF)
    features = jnp.concatenate([mag_features, phase_features], axis=-1)  # (B, T, D)
    # Euclidean cdist(features, codebook): (B, T, K)
    f2 = jnp.sum(features * features, axis=-1, keepdims=True)  # (B, T, 1)
    c2 = jnp.sum(codebook * codebook, axis=-1)  # (K,)
    cross = jnp.einsum('btd,kd->btk', features, codebook)
    d2 = jnp.maximum(f2 + c2[None, None, :] - 2.0 * cross, 0.0)
    distances = jnp.sqrt(d2)
    indices = jnp.argmin(distances, axis=-1)  # (B, T)
    quantized = jnp.take(codebook, indices, axis=0)  # (B, T, D)
    return (quantized, indices, phases)

if __name__ == "__main__":
    import jax
    _d = setup_inputs()
    print(jax.jit(kernel)(*tuple(_d.values())))

</pallas_src>

<mosaic_0001>
#map = affine_map<(d0, d1) -> (0, 0)>
#map1 = affine_map<(d0, d1) -> (0)>
module attributes {stable_mosaic.version = 14 : i64} {
  func.func @gather_k(%arg0: i32, %arg1: i32, %arg2: memref<8192x256xf32, #tpu.memory_space<hbm>>, %arg3: memref<16384xi32, #tpu.memory_space<hbm>>, %arg4: memref<16384x256xf32, #tpu.memory_space<hbm>>, %arg5: memref<512xi32, #tpu.memory_space<vmem>>, %arg6: memref<64x256xf32, #tpu.memory_space<vmem>>, %arg7: memref<64x256xf32, #tpu.memory_space<vmem>>, %arg8: memref<64x256xf32, #tpu.memory_space<vmem>>, %arg9: memref<64x256xf32, #tpu.memory_space<vmem>>, %arg10: memref<!tpu.dma_semaphore, #tpu.memory_space<semaphore_mem>>, %arg11: memref<!tpu.dma_semaphore, #tpu.memory_space<semaphore_mem>>, %arg12: memref<!tpu.dma_semaphore, #tpu.memory_space<semaphore_mem>>, %arg13: memref<!tpu.dma_semaphore, #tpu.memory_space<semaphore_mem>>) attributes {dimension_semantics = [#tpu.dimension_semantics<core_parallel>, #tpu.dimension_semantics<subcore_parallel>], iteration_bounds = array<i64: 2, 16>, scalar_prefetch = 0 : i64, scratch_operands = 9 : i64, tpu.core_type = #tpu.core_type<sc_vector_subcore>, window_params = [{transform_indices = #map}, {transform_indices = #map1}, {transform_indices = #map}]} {
    %mul3A = arith.constant 2 : i32
    %mul3A_0 = arith.muli %arg1, %mul3A : i32
    %add3A = arith.addi %mul3A_0, %arg0 : i32
    %mul3A_1 = arith.constant 512 : i32
    %mul3A_2 = arith.muli %add3A, %mul3A_1 : i32
    "tpu.region"() ({
      %run_scoped3A = tpu.sem_alloc : memref<!tpu.dma_semaphore, #tpu.memory_space<semaphore_mem>>
      %dma_start3A_97 = tpu.memref_slice %arg3[%mul3A_2] : memref<16384xi32, #tpu.memory_space<hbm>> -> memref<512xi32, #tpu.memory_space<hbm>>
      %dma_start3A_98 = tpu.memref_slice %arg3[%mul3A_2] : memref<16384xi32, #tpu.memory_space<hbm>> -> memref<512xi32, #tpu.memory_space<hbm>>
      tpu.enqueue_dma source(%dma_start3A_98 : memref<512xi32, #tpu.memory_space<hbm>>) target(%arg5 : memref<512xi32, #tpu.memory_space<vmem>>) target_semaphore(%run_scoped3A : memref<!tpu.dma_semaphore, #tpu.memory_space<semaphore_mem>>)
      %dma_wait3A_99 = tpu.memref_slice %arg3[%mul3A_2] : memref<16384xi32, #tpu.memory_space<hbm>> -> memref<512xi32, #tpu.memory_space<hbm>>
      %dma_wait3A_100 = tpu.memref_slice %arg3[%mul3A_2] : memref<16384xi32, #tpu.memory_space<hbm>> -> memref<512xi32, #tpu.memory_space<hbm>>
      tpu.wait_dma2 semaphore(%run_scoped3A : memref<!tpu.dma_semaphore, #tpu.memory_space<semaphore_mem>>) src(%dma_wait3A_100 : memref<512xi32, #tpu.memory_space<hbm>>) dst(%arg5 : memref<512xi32, #tpu.memory_space<vmem>>)
      tpu.yield
    }) : () -> ()
    %dma_start3A = arith.constant 0 : i32
    %dma_start3A_3 = tpu.memref_slice %arg5[%dma_start3A] : memref<512xi32, #tpu.memory_space<vmem>> -> memref<64xi32, #tpu.memory_space<vmem>>
    %dma_start3A_4 = arith.constant 0 : i32
    %dma_start3A_5 = arith.constant 0 : i32
    %dma_start3A_6 = tpu.memref_slice %arg2[%dma_start3A_4, %dma_start3A_5] : memref<8192x256xf32, #tpu.memory_space<hbm>> -> memref<8192x256xf32, #tpu.memory_space<hbm>>
    tpu.enqueue_indirect_dma source(%dma_start3A_6 : memref<8192x256xf32, #tpu.memory_space<hbm>>) target(%arg6 : memref<64x256xf32, #tpu.memory_space<vmem>>) offsets(%dma_start3A_3 : memref<64xi32, #tpu.memory_space<vmem>>) semaphore(%arg10 : memref<!tpu.dma_semaphore, #tpu.memory_space<semaphore_mem>>)
    %dma_start3A_7 = arith.constant 64 : i32
    %dma_start3A_8 = tpu.memref_slice %arg5[%dma_start3A_7] : memref<512xi32, #tpu.memory_space<vmem>> -> memref<64xi32, #tpu.memory_space<vmem>>
    %dma_start3A_9 = arith.constant 0 : i32
    %dma_start3A_10 = arith.constant 0 : i32
    %dma_start3A_11 = tpu.memref_slice %arg2[%dma_start3A_9, %dma_start3A_10] : memref<8192x256xf32, #tpu.memory_space<hbm>> -> memref<8192x256xf32, #tpu.memory_space<hbm>>
    tpu.enqueue_indirect_dma source(%dma_start3A_11 : memref<8192x256xf32, #tpu.memory_space<hbm>>) target(%arg7 : memref<64x256xf32, #tpu.memory_space<vmem>>) offsets(%dma_start3A_8 : memref<64xi32, #tpu.memory_space<vmem>>) semaphore(%arg11 : memref<!tpu.dma_semaphore, #tpu.memory_space<semaphore_mem>>)
    %dma_start3A_12 = arith.constant 128 : i32
    %dma_start3A_13 = tpu.memref_slice %arg5[%dma_start3A_12] : memref<512xi32, #tpu.memory_space<vmem>> -> memref<64xi32, #tpu.memory_space<vmem>>
    %dma_start3A_14 = arith.constant 0 : i32
    %dma_start3A_15 = arith.constant 0 : i32
    %dma_start3A_16 = tpu.memref_slice %arg2[%dma_start3A_14, %dma_start3A_15] : memref<8192x256xf32, #tpu.memory_space<hbm>> -> memref<8192x256xf32, #tpu.memory_space<hbm>>
    tpu.enqueue_indirect_dma source(%dma_start3A_16 : memref<8192x256xf32, #tpu.memory_space<hbm>>) target(%arg8 : memref<64x256xf32, #tpu.memory_space<vmem>>) offsets(%dma_start3A_13 : memref<64xi32, #tpu.memory_space<vmem>>) semaphore(%arg12 : memref<!tpu.dma_semaphore, #tpu.memory_space<semaphore_mem>>)
    %dma_start3A_17 = arith.constant 192 : i32
    %dma_start3A_18 = tpu.memref_slice %arg5[%dma_start3A_17] : memref<512xi32, #tpu.memory_space<vmem>> -> memref<64xi32, #tpu.memory_space<vmem>>
    %dma_start3A_19 = arith.constant 0 : i32
    %dma_start3A_20 = arith.constant 0 : i32
    %dma_start3A_21 = tpu.memref_slice %arg2[%dma_start3A_19, %dma_start3A_20] : memref<8192x256xf32, #tpu.memory_space<hbm>> -> memref<8192x256xf32, #tpu.memory_space<hbm>>
    tpu.enqueue_indirect_dma source(%dma_start3A_21 : memref<8192x256xf32, #tpu.memory_space<hbm>>) target(%arg9 : memref<64x256xf32, #tpu.memory_space<vmem>>) offsets(%dma_start3A_18 : memref<64xi32, #tpu.memory_space<vmem>>) semaphore(%arg13 : memref<!tpu.dma_semaphore, #tpu.memory_space<semaphore_mem>>)
    %dma_wait3A = arith.constant 0 : i32
    %dma_wait3A_22 = tpu.memref_slice %arg5[%dma_wait3A] : memref<512xi32, #tpu.memory_space<vmem>> -> memref<64xi32, #tpu.memory_space<vmem>>
    %dma_wait3A_23 = arith.constant 0 : i32
    %dma_wait3A_24 = arith.constant 0 : i32
    %dma_wait3A_25 = tpu.memref_slice %arg2[%dma_wait3A_23, %dma_wait3A_24] : memref<8192x256xf32, #tpu.memory_space<hbm>> -> memref<8192x256xf32, #tpu.memory_space<hbm>>
    tpu.wait_indirect_dma semaphore(%arg10 : memref<!tpu.dma_semaphore, #tpu.memory_space<semaphore_mem>>) src(%dma_wait3A_25 : memref<8192x256xf32, #tpu.memory_space<hbm>>) dst(%arg6 : memref<64x256xf32, #tpu.memory_space<vmem>>)
    %add3A_26 = arith.constant 0 : i32
    %add3A_27 = arith.addi %mul3A_2, %add3A_26 : i32
    "tpu.region"() ({
      %run_scoped3A = tpu.sem_alloc : memref<!tpu.dma_semaphore, #tpu.memory_space<semaphore_mem>>
      %dma_start3A_97 = arith.constant 0 : i32
      %dma_start3A_98 = tpu.memref_slice %arg4[%add3A_27, %dma_start3A_97] : memref<16384x256xf32, #tpu.memory_space<hbm>> -> memref<64x256xf32, #tpu.memory_space<hbm>>
      %dma_start3A_99 = arith.constant 0 : i32
      %dma_start3A_100 = tpu.memref_slice %arg4[%add3A_27, %dma_start3A_99] : memref<16384x256xf32, #tpu.memory_space<hbm>> -> memref<64x256xf32, #tpu.memory_space<hbm>>
      tpu.enqueue_dma source(%arg6 : memref<64x256xf32, #tpu.memory_space<vmem>>) target(%dma_start3A_100 : memref<64x256xf32, #tpu.memory_space<hbm>>) target_semaphore(%run_scoped3A : memref<!tpu.dma_semaphore, #tpu.memory_space<semaphore_mem>>)
      %dma_wait3A_101 = arith.constant 0 : i32
      %dma_wait3A_102 = tpu.memref_slice %arg4[%add3A_27, %dma_wait3A_101] : memref<16384x256xf32, #tpu.memory_space<hbm>> -> memref<64x256xf32, #tpu.memory_space<hbm>>
      %dma_wait3A_103 = arith.constant 0 : i32
      %dma_wait3A_104 = tpu.memref_slice %arg4[%add3A_27, %dma_wait3A_103] : memref<16384x256xf32, #tpu.memory_space<hbm>> -> memref<64x256xf32, #tpu.memory_space<hbm>>
      tpu.wait_dma2 semaphore(%run_scoped3A : memref<!tpu.dma_semaphore, #tpu.memory_space<semaphore_mem>>) src(%arg6 : memref<64x256xf32, #tpu.memory_space<vmem>>) dst(%dma_wait3A_104 : memref<64x256xf32, #tpu.memory_space<hbm>>)
      tpu.yield
    }) : () -> ()
    %dma_start3A_28 = arith.constant 256 : i32
    %dma_start3A_29 = tpu.memref_slice %arg5[%dma_start3A_28] : memref<512xi32, #tpu.memory_space<vmem>> -> memref<64xi32, #tpu.memory_space<vmem>>
    %dma_start3A_30 = arith.constant 0 : i32
    %dma_start3A_31 = arith.constant 0 : i32
    %dma_start3A_32 = tpu.memref_slice %arg2[%dma_start3A_30, %dma_start3A_31] : memref<8192x256xf32, #tpu.memory_space<hbm>> -> memref<8192x256xf32, #tpu.memory_space<hbm>>
    tpu.enqueue_indirect_dma source(%dma_start3A_32 : memref<8192x256xf32, #tpu.memory_space<hbm>>) target(%arg6 : memref<64x256xf32, #tpu.memory_space<vmem>>) offsets(%dma_start3A_29 : memref<64xi32, #tpu.memory_space<vmem>>) semaphore(%arg10 : memref<!tpu.dma_semaphore, #tpu.memory_space<semaphore_mem>>)
    %dma_wait3A_33 = arith.constant 64 : i32
    %dma_wait3A_34 = tpu.memref_slice %arg5[%dma_wait3A_33] : memref<512xi32, #tpu.memory_space<vmem>> -> memref<64xi32, #tpu.memory_space<vmem>>
    %dma_wait3A_35 = arith.constant 0 : i32
    %dma_wait3A_36 = arith.constant 0 : i32
    %dma_wait3A_37 = tpu.memref_slice %arg2[%dma_wait3A_35, %dma_wait3A_36] : memref<8192x256xf32, #tpu.memory_space<hbm>> -> memref<8192x256xf32, #tpu.memory_space<hbm>>
    tpu.wait_indirect_dma semaphore(%arg11 : memref<!tpu.dma_semaphore, #tpu.memory_space<semaphore_mem>>) src(%dma_wait3A_37 : memref<8192x256xf32, #tpu.memory_space<hbm>>) dst(%arg7 : memref<64x256xf32, #tpu.memory_space<vmem>>)
    %add3A_38 = arith.constant 64 : i32
    %add3A_39 = arith.addi %mul3A_2, %add3A_38 : i32
    "tpu.region"() ({
      %run_scoped3A = tpu.sem_alloc : memref<!tpu.dma_semaphore, #tpu.memory_space<semaphore_mem>>
      %dma_start3A_97 = arith.constant 0 : i32
      %dma_start3A_98 = tpu.memref_slice %arg4[%add3A_39, %dma_start3A_97] : memref<16384x256xf32, #tpu.memory_space<hbm>> -> memref<64x256xf32, #tpu.memory_space<hbm>>
      %dma_start3A_99 = arith.constant 0 : i32
      %dma_start3A_100 = tpu.memref_slice %arg4[%add3A_39, %dma_start3A_99] : memref<16384x256xf32, #tpu.memory_space<hbm>> -> memref<64x256xf32, #tpu.memory_space<hbm>>
      tpu.enqueue_dma source(%arg7 : memref<64x256xf32, #tpu.memory_space<vmem>>) target(%dma_start3A_100 : memref<64x256xf32, #tpu.memory_space<hbm>>) target_semaphore(%run_scoped3A : memref<!tpu.dma_semaphore, #tpu.memory_space<semaphore_mem>>)
      %dma_wait3A_101 = arith.constant 0 : i32
      %dma_wait3A_102 = tpu.memref_slice %arg4[%add3A_39, %dma_wait3A_101] : memref<16384x256xf32, #tpu.memory_space<hbm>> -> memref<64x256xf32, #tpu.memory_space<hbm>>
      %dma_wait3A_103 = arith.constant 0 : i32
      %dma_wait3A_104 = tpu.memref_slice %arg4[%add3A_39, %dma_wait3A_103] : memref<16384x256xf32, #tpu.memory_space<hbm>> -> memref<64x256xf32, #tpu.memory_space<hbm>>
      tpu.wait_dma2 semaphore(%run_scoped3A : memref<!tpu.dma_semaphore, #tpu.memory_space<semaphore_mem>>) src(%arg7 : memref<64x256xf32, #tpu.memory_space<vmem>>) dst(%dma_wait3A_104 : memref<64x256xf32, #tpu.memory_space<hbm>>)
      tpu.yield
    }) : () -> ()
    %dma_start3A_40 = arith.constant 320 : i32
    %dma_start3A_41 = tpu.memref_slice %arg5[%dma_start3A_40] : memref<512xi32, #tpu.memory_space<vmem>> -> memref<64xi32, #tpu.memory_space<vmem>>
    %dma_start3A_42 = arith.constant 0 : i32
    %dma_start3A_43 = arith.constant 0 : i32
    %dma_start3A_44 = tpu.memref_slice %arg2[%dma_start3A_42, %dma_start3A_43] : memref<8192x256xf32, #tpu.memory_space<hbm>> -> memref<8192x256xf32, #tpu.memory_space<hbm>>
    tpu.enqueue_indirect_dma source(%dma_start3A_44 : memref<8192x256xf32, #tpu.memory_space<hbm>>) target(%arg7 : memref<64x256xf32, #tpu.memory_space<vmem>>) offsets(%dma_start3A_41 : memref<64xi32, #tpu.memory_space<vmem>>) semaphore(%arg11 : memref<!tpu.dma_semaphore, #tpu.memory_space<semaphore_mem>>)
    %dma_wait3A_45 = arith.constant 128 : i32
    %dma_wait3A_46 = tpu.memref_slice %arg5[%dma_wait3A_45] : memref<512xi32, #tpu.memory_space<vmem>> -> memref<64xi32, #tpu.memory_space<vmem>>
    %dma_wait3A_47 = arith.constant 0 : i32
    %dma_wait3A_48 = arith.constant 0 : i32
    %dma_wait3A_49 = tpu.memref_slice %arg2[%dma_wait3A_47, %dma_wait3A_48] : memref<8192x256xf32, #tpu.memory_space<hbm>> -> memref<8192x256xf32, #tpu.memory_space<hbm>>
    tpu.wait_indirect_dma semaphore(%arg12 : memref<!tpu.dma_semaphore, #tpu.memory_space<semaphore_mem>>) src(%dma_wait3A_49 : memref<8192x256xf32, #tpu.memory_space<hbm>>) dst(%arg8 : memref<64x256xf32, #tpu.memory_space<vmem>>)
    %add3A_50 = arith.constant 128 : i32
    %add3A_51 = arith.addi %mul3A_2, %add3A_50 : i32
    "tpu.region"() ({
      %run_scoped3A = tpu.sem_alloc : memref<!tpu.dma_semaphore, #tpu.memory_space<semaphore_mem>>
      %dma_start3A_97 = arith.constant 0 : i32
      %dma_start3A_98 = tpu.memref_slice %arg4[%add3A_51, %dma_start3A_97] : memref<16384x256xf32, #tpu.memory_space<hbm>> -> memref<64x256xf32, #tpu.memory_space<hbm>>
      %dma_start3A_99 = arith.constant 0 : i32
      %dma_start3A_100 = tpu.memref_slice %arg4[%add3A_51, %dma_start3A_99] : memref<16384x256xf32, #tpu.memory_space<hbm>> -> memref<64x256xf32, #tpu.memory_space<hbm>>
      tpu.enqueue_dma source(%arg8 : memref<64x256xf32, #tpu.memory_space<vmem>>) target(%dma_start3A_100 : memref<64x256xf32, #tpu.memory_space<hbm>>) target_semaphore(%run_scoped3A : memref<!tpu.dma_semaphore, #tpu.memory_space<semaphore_mem>>)
      %dma_wait3A_101 = arith.constant 0 : i32
      %dma_wait3A_102 = tpu.memref_slice %arg4[%add3A_51, %dma_wait3A_101] : memref<16384x256xf32, #tpu.memory_space<hbm>> -> memref<64x256xf32, #tpu.memory_space<hbm>>
      %dma_wait3A_103 = arith.constant 0 : i32
      %dma_wait3A_104 = tpu.memref_slice %arg4[%add3A_51, %dma_wait3A_103] : memref<16384x256xf32, #tpu.memory_space<hbm>> -> memref<64x256xf32, #tpu.memory_space<hbm>>
      tpu.wait_dma2 semaphore(%run_scoped3A : memref<!tpu.dma_semaphore, #tpu.memory_space<semaphore_mem>>) src(%arg8 : memref<64x256xf32, #tpu.memory_space<vmem>>) dst(%dma_wait3A_104 : memref<64x256xf32, #tpu.memory_space<hbm>>)
      tpu.yield
    }) : () -> ()
    %dma_start3A_52 = arith.constant 384 : i32
    %dma_start3A_53 = tpu.memref_slice %arg5[%dma_start3A_52] : memref<512xi32, #tpu.memory_space<vmem>> -> memref<64xi32, #tpu.memory_space<vmem>>
    %dma_start3A_54 = arith.constant 0 : i32
    %dma_start3A_55 = arith.constant 0 : i32
    %dma_start3A_56 = tpu.memref_slice %arg2[%dma_start3A_54, %dma_start3A_55] : memref<8192x256xf32, #tpu.memory_space<hbm>> -> memref<8192x256xf32, #tpu.memory_space<hbm>>
    tpu.enqueue_indirect_dma source(%dma_start3A_56 : memref<8192x256xf32, #tpu.memory_space<hbm>>) target(%arg8 : memref<64x256xf32, #tpu.memory_space<vmem>>) offsets(%dma_start3A_53 : memref<64xi32, #tpu.memory_space<vmem>>) semaphore(%arg12 : memref<!tpu.dma_semaphore, #tpu.memory_space<semaphore_mem>>)
    %dma_wait3A_57 = arith.constant 192 : i32
    %dma_wait3A_58 = tpu.memref_slice %arg5[%dma_wait3A_57] : memref<512xi32, #tpu.memory_space<vmem>> -> memref<64xi32, #tpu.memory_space<vmem>>
    %dma_wait3A_59 = arith.constant 0 : i32
    %dma_wait3A_60 = arith.constant 0 : i32
    %dma_wait3A_61 = tpu.memref_slice %arg2[%dma_wait3A_59, %dma_wait3A_60] : memref<8192x256xf32, #tpu.memory_space<hbm>> -> memref<8192x256xf32, #tpu.memory_space<hbm>>
    tpu.wait_indirect_dma semaphore(%arg13 : memref<!tpu.dma_semaphore, #tpu.memory_space<semaphore_mem>>) src(%dma_wait3A_61 : memref<8192x256xf32, #tpu.memory_space<hbm>>) dst(%arg9 : memref<64x256xf32, #tpu.memory_space<vmem>>)
    %add3A_62 = arith.constant 192 : i32
    %add3A_63 = arith.addi %mul3A_2, %add3A_62 : i32
    "tpu.region"() ({
      %run_scoped3A = tpu.sem_alloc : memref<!tpu.dma_semaphore, #tpu.memory_space<semaphore_mem>>
      %dma_start3A_97 = arith.constant 0 : i32
      %dma_start3A_98 = tpu.memref_slice %arg4[%add3A_63, %dma_start3A_97] : memref<16384x256xf32, #tpu.memory_space<hbm>> -> memref<64x256xf32, #tpu.memory_space<hbm>>
      %dma_start3A_99 = arith.constant 0 : i32
      %dma_start3A_100 = tpu.memref_slice %arg4[%add3A_63, %dma_start3A_99] : memref<16384x256xf32, #tpu.memory_space<hbm>> -> memref<64x256xf32, #tpu.memory_space<hbm>>
      tpu.enqueue_dma source(%arg9 : memref<64x256xf32, #tpu.memory_space<vmem>>) target(%dma_start3A_100 : memref<64x256xf32, #tpu.memory_space<hbm>>) target_semaphore(%run_scoped3A : memref<!tpu.dma_semaphore, #tpu.memory_space<semaphore_mem>>)
      %dma_wait3A_101 = arith.constant 0 : i32
      %dma_wait3A_102 = tpu.memref_slice %arg4[%add3A_63, %dma_wait3A_101] : memref<16384x256xf32, #tpu.memory_space<hbm>> -> memref<64x256xf32, #tpu.memory_space<hbm>>
      %dma_wait3A_103 = arith.constant 0 : i32
      %dma_wait3A_104 = tpu.memref_slice %arg4[%add3A_63, %dma_wait3A_103] : memref<16384x256xf32, #tpu.memory_space<hbm>> -> memref<64x256xf32, #tpu.memory_space<hbm>>
      tpu.wait_dma2 semaphore(%run_scoped3A : memref<!tpu.dma_semaphore, #tpu.memory_space<semaphore_mem>>) src(%arg9 : memref<64x256xf32, #tpu.memory_space<vmem>>) dst(%dma_wait3A_104 : memref<64x256xf32, #tpu.memory_space<hbm>>)
      tpu.yield
    }) : () -> ()
    %dma_start3A_64 = arith.constant 448 : i32
    %dma_start3A_65 = tpu.memref_slice %arg5[%dma_start3A_64] : memref<512xi32, #tpu.memory_space<vmem>> -> memref<64xi32, #tpu.memory_space<vmem>>
    %dma_start3A_66 = arith.constant 0 : i32
    %dma_start3A_67 = arith.constant 0 : i32
    %dma_start3A_68 = tpu.memref_slice %arg2[%dma_start3A_66, %dma_start3A_67] : memref<8192x256xf32, #tpu.memory_space<hbm>> -> memref<8192x256xf32, #tpu.memory_space<hbm>>
    tpu.enqueue_indirect_dma source(%dma_start3A_68 : memref<8192x256xf32, #tpu.memory_space<hbm>>) target(%arg9 : memref<64x256xf32, #tpu.memory_space<vmem>>) offsets(%dma_start3A_65 : memref<64xi32, #tpu.memory_space<vmem>>) semaphore(%arg13 : memref<!tpu.dma_semaphore, #tpu.memory_space<semaphore_mem>>)
    %dma_wait3A_69 = arith.constant 256 : i32
    %dma_wait3A_70 = tpu.memref_slice %arg5[%dma_wait3A_69] : memref<512xi32, #tpu.memory_space<vmem>> -> memref<64xi32, #tpu.memory_space<vmem>>
    %dma_wait3A_71 = arith.constant 0 : i32
    %dma_wait3A_72 = arith.constant 0 : i32
    %dma_wait3A_73 = tpu.memref_slice %arg2[%dma_wait3A_71, %dma_wait3A_72] : memref<8192x256xf32, #tpu.memory_space<hbm>> -> memref<8192x256xf32, #tpu.memory_space<hbm>>
    tpu.wait_indirect_dma semaphore(%arg10 : memref<!tpu.dma_semaphore, #tpu.memory_space<semaphore_mem>>) src(%dma_wait3A_73 : memref<8192x256xf32, #tpu.memory_space<hbm>>) dst(%arg6 : memref<64x256xf32, #tpu.memory_space<vmem>>)
    %add3A_74 = arith.constant 256 : i32
    %add3A_75 = arith.addi %mul3A_2, %add3A_74 : i32
    "tpu.region"() ({
      %run_scoped3A = tpu.sem_alloc : memref<!tpu.dma_semaphore, #tpu.memory_space<semaphore_mem>>
      %dma_start3A_97 = arith.constant 0 : i32
      %dma_start3A_98 = tpu.memref_slice %arg4[%add3A_75, %dma_start3A_97] : memref<16384x256xf32, #tpu.memory_space<hbm>> -> memref<64x256xf32, #tpu.memory_space<hbm>>
      %dma_start3A_99 = arith.constant 0 : i32
      %dma_start3A_100 = tpu.memref_slice %arg4[%add3A_75, %dma_start3A_99] : memref<16384x256xf32, #tpu.memory_space<hbm>> -> memref<64x256xf32, #tpu.memory_space<hbm>>
      tpu.enqueue_dma source(%arg6 : memref<64x256xf32, #tpu.memory_space<vmem>>) target(%dma_start3A_100 : memref<64x256xf32, #tpu.memory_space<hbm>>) target_semaphore(%run_scoped3A : memref<!tpu.dma_semaphore, #tpu.memory_space<semaphore_mem>>)
      %dma_wait3A_101 = arith.constant 0 : i32
      %dma_wait3A_102 = tpu.memref_slice %arg4[%add3A_75, %dma_wait3A_101] : memref<16384x256xf32, #tpu.memory_space<hbm>> -> memref<64x256xf32, #tpu.memory_space<hbm>>
      %dma_wait3A_103 = arith.constant 0 : i32
      %dma_wait3A_104 = tpu.memref_slice %arg4[%add3A_75, %dma_wait3A_103] : memref<16384x256xf32, #tpu.memory_space<hbm>> -> memref<64x256xf32, #tpu.memory_space<hbm>>
      tpu.wait_dma2 semaphore(%run_scoped3A : memref<!tpu.dma_semaphore, #tpu.memory_space<semaphore_mem>>) src(%arg6 : memref<64x256xf32, #tpu.memory_space<vmem>>) dst(%dma_wait3A_104 : memref<64x256xf32, #tpu.memory_space<hbm>>)
      tpu.yield
    }) : () -> ()
    %dma_wait3A_76 = arith.constant 320 : i32
    %dma_wait3A_77 = tpu.memref_slice %arg5[%dma_wait3A_76] : memref<512xi32, #tpu.memory_space<vmem>> -> memref<64xi32, #tpu.memory_space<vmem>>
    %dma_wait3A_78 = arith.constant 0 : i32
    %dma_wait3A_79 = arith.constant 0 : i32
    %dma_wait3A_80 = tpu.memref_slice %arg2[%dma_wait3A_78, %dma_wait3A_79] : memref<8192x256xf32, #tpu.memory_space<hbm>> -> memref<8192x256xf32, #tpu.memory_space<hbm>>
    tpu.wait_indirect_dma semaphore(%arg11 : memref<!tpu.dma_semaphore, #tpu.memory_space<semaphore_mem>>) src(%dma_wait3A_80 : memref<8192x256xf32, #tpu.memory_space<hbm>>) dst(%arg7 : memref<64x256xf32, #tpu.memory_space<vmem>>)
    %add3A_81 = arith.constant 320 : i32
    %add3A_82 = arith.addi %mul3A_2, %add3A_81 : i32
    "tpu.region"() ({
      %run_scoped3A = tpu.sem_alloc : memref<!tpu.dma_semaphore, #tpu.memory_space<semaphore_mem>>
      %dma_start3A_97 = arith.constant 0 : i32
      %dma_start3A_98 = tpu.memref_slice %arg4[%add3A_82, %dma_start3A_97] : memref<16384x256xf32, #tpu.memory_space<hbm>> -> memref<64x256xf32, #tpu.memory_space<hbm>>
      %dma_start3A_99 = arith.constant 0 : i32
      %dma_start3A_100 = tpu.memref_slice %arg4[%add3A_82, %dma_start3A_99] : memref<16384x256xf32, #tpu.memory_space<hbm>> -> memref<64x256xf32, #tpu.memory_space<hbm>>
      tpu.enqueue_dma source(%arg7 : memref<64x256xf32, #tpu.memory_space<vmem>>) target(%dma_start3A_100 : memref<64x256xf32, #tpu.memory_space<hbm>>) target_semaphore(%run_scoped3A : memref<!tpu.dma_semaphore, #tpu.memory_space<semaphore_mem>>)
      %dma_wait3A_101 = arith.constant 0 : i32
      %dma_wait3A_102 = tpu.memref_slice %arg4[%add3A_82, %dma_wait3A_101] : memref<16384x256xf32, #tpu.memory_space<hbm>> -> memref<64x256xf32, #tpu.memory_space<hbm>>
      %dma_wait3A_103 = arith.constant 0 : i32
      %dma_wait3A_104 = tpu.memref_slice %arg4[%add3A_82, %dma_wait3A_103] : memref<16384x256xf32, #tpu.memory_space<hbm>> -> memref<64x256xf32, #tpu.memory_space<hbm>>
      tpu.wait_dma2 semaphore(%run_scoped3A : memref<!tpu.dma_semaphore, #tpu.memory_space<semaphore_mem>>) src(%arg7 : memref<64x256xf32, #tpu.memory_space<vmem>>) dst(%dma_wait3A_104 : memref<64x256xf32, #tpu.memory_space<hbm>>)
      tpu.yield
    }) : () -> ()
    %dma_wait3A_83 = arith.constant 384 : i32
    %dma_wait3A_84 = tpu.memref_slice %arg5[%dma_wait3A_83] : memref<512xi32, #tpu.memory_space<vmem>> -> memref<64xi32, #tpu.memory_space<vmem>>
    %dma_wait3A_85 = arith.constant 0 : i32
    %dma_wait3A_86 = arith.constant 0 : i32
    %dma_wait3A_87 = tpu.memref_slice %arg2[%dma_wait3A_85, %dma_wait3A_86] : memref<8192x256xf32, #tpu.memory_space<hbm>> -> memref<8192x256xf32, #tpu.memory_space<hbm>>
    tpu.wait_indirect_dma semaphore(%arg12 : memref<!tpu.dma_semaphore, #tpu.memory_space<semaphore_mem>>) src(%dma_wait3A_87 : memref<8192x256xf32, #tpu.memory_space<hbm>>) dst(%arg8 : memref<64x256xf32, #tpu.memory_space<vmem>>)
    %add3A_88 = arith.constant 384 : i32
    %add3A_89 = arith.addi %mul3A_2, %add3A_88 : i32
    "tpu.region"() ({
      %run_scoped3A = tpu.sem_alloc : memref<!tpu.dma_semaphore, #tpu.memory_space<semaphore_mem>>
      %dma_start3A_97 = arith.constant 0 : i32
      %dma_start3A_98 = tpu.memref_slice %arg4[%add3A_89, %dma_start3A_97] : memref<16384x256xf32, #tpu.memory_space<hbm>> -> memref<64x256xf32, #tpu.memory_space<hbm>>
      %dma_start3A_99 = arith.constant 0 : i32
      %dma_start3A_100 = tpu.memref_slice %arg4[%add3A_89, %dma_start3A_99] : memref<16384x256xf32, #tpu.memory_space<hbm>> -> memref<64x256xf32, #tpu.memory_space<hbm>>
      tpu.enqueue_dma source(%arg8 : memref<64x256xf32, #tpu.memory_space<vmem>>) target(%dma_start3A_100 : memref<64x256xf32, #tpu.memory_space<hbm>>) target_semaphore(%run_scoped3A : memref<!tpu.dma_semaphore, #tpu.memory_space<semaphore_mem>>)
      %dma_wait3A_101 = arith.constant 0 : i32
      %dma_wait3A_102 = tpu.memref_slice %arg4[%add3A_89, %dma_wait3A_101] : memref<16384x256xf32, #tpu.memory_space<hbm>> -> memref<64x256xf32, #tpu.memory_space<hbm>>
      %dma_wait3A_103 = arith.constant 0 : i32
      %dma_wait3A_104 = tpu.memref_slice %arg4[%add3A_89, %dma_wait3A_103] : memref<16384x256xf32, #tpu.memory_space<hbm>> -> memref<64x256xf32, #tpu.memory_space<hbm>>
      tpu.wait_dma2 semaphore(%run_scoped3A : memref<!tpu.dma_semaphore, #tpu.memory_space<semaphore_mem>>) src(%arg8 : memref<64x256xf32, #tpu.memory_space<vmem>>) dst(%dma_wait3A_104 : memref<64x256xf32, #tpu.memory_space<hbm>>)
      tpu.yield
    }) : () -> ()
    %dma_wait3A_90 = arith.constant 448 : i32
    %dma_wait3A_91 = tpu.memref_slice %arg5[%dma_wait3A_90] : memref<512xi32, #tpu.memory_space<vmem>> -> memref<64xi32, #tpu.memory_space<vmem>>
    %dma_wait3A_92 = arith.constant 0 : i32
    %dma_wait3A_93 = arith.constant 0 : i32
    %dma_wait3A_94 = tpu.memref_slice %arg2[%dma_wait3A_92, %dma_wait3A_93] : memref<8192x256xf32, #tpu.memory_space<hbm>> -> memref<8192x256xf32, #tpu.memory_space<hbm>>
    tpu.wait_indirect_dma semaphore(%arg13 : memref<!tpu.dma_semaphore, #tpu.memory_space<semaphore_mem>>) src(%dma_wait3A_94 : memref<8192x256xf32, #tpu.memory_space<hbm>>) dst(%arg9 : memref<64x256xf32, #tpu.memory_space<vmem>>)
    %add3A_95 = arith.constant 448 : i32
    %add3A_96 = arith.addi %mul3A_2, %add3A_95 : i32
    "tpu.region"() ({
      %run_scoped3A = tpu.sem_alloc : memref<!tpu.dma_semaphore, #tpu.memory_space<semaphore_mem>>
      %dma_start3A_97 = arith.constant 0 : i32
      %dma_start3A_98 = tpu.memref_slice %arg4[%add3A_96, %dma_start3A_97] : memref<16384x256xf32, #tpu.memory_space<hbm>> -> memref<64x256xf32, #tpu.memory_space<hbm>>
      %dma_start3A_99 = arith.constant 0 : i32
      %dma_start3A_100 = tpu.memref_slice %arg4[%add3A_96, %dma_start3A_99] : memref<16384x256xf32, #tpu.memory_space<hbm>> -> memref<64x256xf32, #tpu.memory_space<hbm>>
      tpu.enqueue_dma source(%arg9 : memref<64x256xf32, #tpu.memory_space<vmem>>) target(%dma_start3A_100 : memref<64x256xf32, #tpu.memory_space<hbm>>) target_semaphore(%run_scoped3A : memref<!tpu.dma_semaphore, #tpu.memory_space<semaphore_mem>>)
      %dma_wait3A_101 = arith.constant 0 : i32
      %dma_wait3A_102 = tpu.memref_slice %arg4[%add3A_96, %dma_wait3A_101] : memref<16384x256xf32, #tpu.memory_space<hbm>> -> memref<64x256xf32, #tpu.memory_space<hbm>>
      %dma_wait3A_103 = arith.constant 0 : i32
      %dma_wait3A_104 = tpu.memref_slice %arg4[%add3A_96, %dma_wait3A_103] : memref<16384x256xf32, #tpu.memory_space<hbm>> -> memref<64x256xf32, #tpu.memory_space<hbm>>
      tpu.wait_dma2 semaphore(%run_scoped3A : memref<!tpu.dma_semaphore, #tpu.memory_space<semaphore_mem>>) src(%arg9 : memref<64x256xf32, #tpu.memory_space<vmem>>) dst(%dma_wait3A_104 : memref<64x256xf32, #tpu.memory_space<hbm>>)
      tpu.yield
    }) : () -> ()
    return
  }
}

module attributes {stable_mosaic.version = 14 : i64} {
  func.func @_vq_body(%arg0: i32, %arg1: i32, %arg2: memref<1x256x1024xf32, #tpu.memory_space<vmem>>, %arg3: memref<1x1x1024xf32, #tpu.memory_space<vmem>>, %arg4: memref<2048x256xf32, #tpu.memory_space<vmem>>, %arg5: memref<1x1x1024xi32, #tpu.memory_space<vmem>>, %arg6: memref<1x1024xf32, #tpu.memory_space<vmem>>, %arg7: memref<1x1024xi32, #tpu.memory_space<vmem>>) attributes {dimension_semantics = [#tpu.dimension_semantics<arbitrary>, #tpu.dimension_semantics<arbitrary>], iteration_bounds = array<i64: 16, 4>, scalar_prefetch = 0 : i64, scratch_operands = 2 : i64, tpu.core_type = #tpu.core_type<tc>, window_params = [{transform_indices = @transform_0, window_bounds = array<i64: 1, 256, 1024>}, {transform_indices = @transform_1, window_bounds = array<i64: 1, 1, 1024>}, {transform_indices = @transform_2, window_bounds = array<i64: 2048, 256>}, {transform_indices = @transform_3, window_bounds = array<i64: 1, 1, 1024>}]} {
    %get3A = arith.constant 0 : index
    %get3A_0 = arith.constant 0 : index
    %get3A_1 = vector.load %arg4[%get3A, %get3A_0] : memref<2048x256xf32, #tpu.memory_space<vmem>>, vector<2048x256xf32>
    %get3A_2 = arith.constant 0 : index
    %get3A_3 = arith.constant 0 : index
    %get3A_4 = arith.constant 0 : index
    %get3A_5 = vector.load %arg2[%get3A_2, %get3A_3, %get3A_4] : memref<1x256x1024xf32, #tpu.memory_space<vmem>>, vector<1x256x1024xf32>
    %get3A_6 = vector.shape_cast %get3A_5 : vector<1x256x1024xf32> to vector<256x1024xf32>
    %dot_general3A = arith.constant dense<0.000000e+00> : vector<2048x1024xf32>
    %dot_general3A_7 = tpu.matmul %get3A_1, %get3A_6, %dot_general3A {dimension_numbers = #tpu.dot_dimension_numbers<[1], [0], [0], [1], [0, 0, 1, 1], [], []>, transpose_lhs_hint = false} : vector<2048x256xf32>, vector<256x1024xf32>, vector<2048x1024xf32> -> vector<2048x1024xf32>
    %mul3A = arith.mulf %get3A_1, %get3A_1 : vector<2048x256xf32>
    %reduce_sum3A = arith.constant dense<0.000000e+00> : vector<2048xf32>
    %reduce_sum3A_8 = vector.multi_reduction <add>, %mul3A, %reduce_sum3A [1] : vector<2048x256xf32> to vector<2048xf32>
    %broadcast_in_dim3A = vector.shape_cast %reduce_sum3A_8 : vector<2048xf32> to vector<2048x1xf32>
    %get3A_9 = arith.constant 0 : index
    %get3A_10 = arith.constant 0 : index
    %get3A_11 = arith.constant 0 : index
    %get3A_12 = vector.load %arg3[%get3A_9, %get3A_10, %get3A_11] : memref<1x1x1024xf32, #tpu.memory_space<vmem>>, vector<1x1x1024xf32>
    %get3A_13 = vector.shape_cast %get3A_12 : vector<1x1x1024xf32> to vector<1x1024xf32>
    %add3A = vector.broadcast %get3A_13 : vector<1x1024xf32> to vector<2048x1024xf32>
    %add3A_14 = vector.broadcast %broadcast_in_dim3A : vector<2048x1xf32> to vector<2048x1024xf32>
    %add3A_15 = arith.addf %add3A, %add3A_14 : vector<2048x1024xf32>
    %mul3A_16 = arith.constant 2.000000e+00 : f32
    %mul3A_17 = vector.broadcast %mul3A_16 : f32 to vector<2048x1024xf32>
    %mul3A_18 = arith.mulf %mul3A_17, %dot_general3A_7 : vector<2048x1024xf32>
    %sub3A = arith.subf %add3A_15, %mul3A_18 : vector<2048x1024xf32>
    %max3A = arith.constant 0.000000e+00 : f32
    %max3A_19 = vector.broadcast %max3A : f32 to vector<2048x1024xf32>
    %max3A_20 = arith.maximumf %sub3A, %max3A_19 : vector<2048x1024xf32>
    %sqrt3A = math.sqrt %max3A_20 : vector<2048x1024xf32>
    %reduce_min3A = arith.constant dense<0x7F800000> : vector<1024xf32>
    %reduce_min3A_21 = vector.multi_reduction <minimumf>, %sub3A, %reduce_min3A [0] : vector<2048x1024xf32> to vector<1024xf32>
    %broadcast_in_dim3A_22 = vector.shape_cast %reduce_min3A_21 : vector<1024xf32> to vector<1x1024xf32>
    %max3A_23 = arith.constant 0.000000e+00 : f32
    %max3A_24 = vector.broadcast %max3A_23 : f32 to vector<1x1024xf32>
    %max3A_25 = arith.maximumf %broadcast_in_dim3A_22, %max3A_24 : vector<1x1024xf32>
    %sqrt3A_26 = math.sqrt %max3A_25 : vector<1x1024xf32>
    %argmin3A = tpu.reduce_index %sqrt3A {axis = 0 : i32, kind = #tpu.reduction_kind<arg_min>} : vector<2048x1024xf32> -> vector<1024xi32>
    %broadcast_in_dim3A_27 = vector.shape_cast %argmin3A : vector<1024xi32> to vector<1x1024xi32>
    %mul3A_28 = arith.constant 2048 : i32
    %mul3A_29 = arith.muli %arg1, %mul3A_28 : i32
    %add3A_30 = vector.broadcast %mul3A_29 : i32 to vector<1x1024xi32>
    %add3A_31 = arith.addi %broadcast_in_dim3A_27, %add3A_30 : vector<1x1024xi32>
    %eq3A = arith.constant 0 : i32
    %eq3A_32 = arith.cmpi eq, %arg1, %eq3A : i32
    %convert_element_type3A = arith.extui %eq3A_32 : i1 to i32
    %cond3A = arith.constant 0 : i32
    %cond3A_33 = arith.cmpi ne, %convert_element_type3A, %cond3A : i32
    scf.if %cond3A_33 {
      %swap3A = arith.constant 0 : index
      %swap3A_43 = arith.constant 0 : index
      %swap3A_44 = vector.load %arg6[%swap3A, %swap3A_43] : memref<1x1024xf32, #tpu.memory_space<vmem>>, vector<1x1024xf32>
      tpu.vector_store %arg6[%swap3A, %swap3A_43], %sqrt3A_26 {strides = array<i32>} : memref<1x1024xf32, #tpu.memory_space<vmem>>, vector<1x1024xf32>,
      %swap3A_45 = arith.constant 0 : index
      %swap3A_46 = arith.constant 0 : index
      %swap3A_47 = vector.load %arg7[%swap3A_45, %swap3A_46] : memref<1x1024xi32, #tpu.memory_space<vmem>>, vector<1x1024xi32>
      tpu.vector_store %arg7[%swap3A_45, %swap3A_46], %add3A_31 {strides = array<i32>} : memref<1x1024xi32, #tpu.memory_space<vmem>>, vector<1x1024xi32>,
    } else {
    }
    %gt3A = arith.constant 0 : i32
    %gt3A_34 = arith.cmpi sgt, %arg1, %gt3A : i32
    %convert_element_type3A_35 = arith.extui %gt3A_34 : i1 to i32
    %cond3A_36 = arith.constant 0 : i32
    %cond3A_37 = arith.cmpi ne, %convert_element_type3A_35, %cond3A_36 : i32
    scf.if %cond3A_37 {
      %get3A_43 = arith.constant 0 : index
      %get3A_44 = arith.constant 0 : index
      %get3A_45 = vector.load %arg6[%get3A_43, %get3A_44] : memref<1x1024xf32, #tpu.memory_space<vmem>>, vector<1x1024xf32>
      %lt3A = arith.cmpf olt, %sqrt3A_26, %get3A_45 : vector<1x1024xf32>
      %select_n3A = arith.select %lt3A, %sqrt3A_26, %get3A_45 : vector<1x1024xi1>, vector<1x1024xf32>
      %swap3A = arith.constant 0 : index
      %swap3A_46 = arith.constant 0 : index
      %swap3A_47 = vector.load %arg6[%swap3A, %swap3A_46] : memref<1x1024xf32, #tpu.memory_space<vmem>>, vector<1x1024xf32>
      tpu.vector_store %arg6[%swap3A, %swap3A_46], %select_n3A {strides = array<i32>} : memref<1x1024xf32, #tpu.memory_space<vmem>>, vector<1x1024xf32>,
      %get3A_48 = arith.constant 0 : index
      %get3A_49 = arith.constant 0 : index
      %get3A_50 = vector.load %arg7[%get3A_48, %get3A_49] : memref<1x1024xi32, #tpu.memory_space<vmem>>, vector<1x1024xi32>
      %select_n3A_51 = arith.select %lt3A, %add3A_31, %get3A_50 : vector<1x1024xi1>, vector<1x1024xi32>
      %swap3A_52 = arith.constant 0 : index
      %swap3A_53 = arith.constant 0 : index
      %swap3A_54 = vector.load %arg7[%swap3A_52, %swap3A_53] : memref<1x1024xi32, #tpu.memory_space<vmem>>, vector<1x1024xi32>
      tpu.vector_store %arg7[%swap3A_52, %swap3A_53], %select_n3A_51 {strides = array<i32>} : memref<1x1024xi32, #tpu.memory_space<vmem>>, vector<1x1024xi32>,
    } else {
    }
    %eq3A_38 = arith.constant 3 : i32
    %eq3A_39 = arith.cmpi eq, %arg1, %eq3A_38 : i32
    %convert_element_type3A_40 = arith.extui %eq3A_39 : i1 to i32
    %cond3A_41 = arith.constant 0 : i32
    %cond3A_42 = arith.cmpi ne, %convert_element_type3A_40, %cond3A_41 : i32
    scf.if %cond3A_42 {
      %get3A_43 = arith.constant 0 : index
      %get3A_44 = arith.constant 0 : index
      %get3A_45 = vector.load %arg7[%get3A_43, %get3A_44] : memref<1x1024xi32, #tpu.memory_space<vmem>>, vector<1x1024xi32>
      %swap3A = arith.constant 0 : index
      %swap3A_46 = arith.constant 0 : index
      %swap3A_47 = arith.constant 0 : index
      %swap3A_48 = vector.load %arg5[%swap3A, %swap3A_46, %swap3A_47] : memref<1x1x1024xi32, #tpu.memory_space<vmem>>, vector<1x1x1024xi32>
      %swap3A_49 = vector.shape_cast %swap3A_48 : vector<1x1x1024xi32> to vector<1x1024xi32>
      %swap3A_50 = vector.shape_cast %get3A_45 : vector<1x1024xi32> to vector<1x1x1024xi32>
      tpu.vector_store %arg5[%swap3A, %swap3A_46, %swap3A_47], %swap3A_50 {strides = array<i32>} : memref<1x1x1024xi32, #tpu.memory_space<vmem>>, vector<1x1x1024xi32>,
    } else {
    }
    return
  }
  func.func @transform_0(%arg0: i32, %arg1: i32) -> (i32, i32, i32) {
    %c0_i32 = arith.constant 0 : i32
    %c0_i32_0 = arith.constant 0 : i32
    %c0_i32_1 = arith.constant 0 : i32
    return %arg0, %c0_i32, %c0_i32_0 : i32, i32, i32
  }
  func.func @transform_1(%arg0: i32, %arg1: i32) -> (i32, i32, i32) {
    %c0_i32 = arith.constant 0 : i32
    %c0_i32_0 = arith.constant 0 : i32
    %c0_i32_1 = arith.constant 0 : i32
    return %arg0, %c0_i32, %c0_i32_0 : i32, i32, i32
  }
  func.func @transform_2(%arg0: i32, %arg1: i32) -> (i32, i32) {
    %c0_i32 = arith.constant 0 : i32
    %c0_i32_0 = arith.constant 0 : i32
    return %arg1, %c0_i32 : i32, i32
  }
  func.func @transform_3(%arg0: i32, %arg1: i32) -> (i32, i32, i32) {
    %c0_i32 = arith.constant 0 : i32
    %c0_i32_0 = arith.constant 0 : i32
    %c0_i32_1 = arith.constant 0 : i32
    return %arg0, %c0_i32, %c0_i32_0 : i32, i32, i32
  }
}

module attributes {stable_mosaic.version = 14 : i64} {
  func.func @_feat_body(%arg0: i32, %arg1: memref<1x9x1024xf32, #tpu.memory_space<vmem>>, %arg2: memref<1024x1024xf32, #tpu.memory_space<vmem>>, %arg3: memref<128x9xf32, #tpu.memory_space<vmem>>, %arg4: memref<128x1xf32, #tpu.memory_space<vmem>>, %arg5: memref<128x9xf32, #tpu.memory_space<vmem>>, %arg6: memref<128x1xf32, #tpu.memory_space<vmem>>, %arg7: memref<1x256x1024xf32, #tpu.memory_space<vmem>>, %arg8: memref<1x1x1024xf32, #tpu.memory_space<vmem>>, %arg9: memref<1x1x1024xf32, #tpu.memory_space<vmem>>) attributes {dimension_semantics = [#tpu.dimension_semantics<parallel>], iteration_bounds = array<i64: 16>, scalar_prefetch = 0 : i64, scratch_operands = 0 : i64, tpu.core_type = #tpu.core_type<tc>, window_params = [{transform_indices = @transform_0, window_bounds = array<i64: 1, 9, 1024>}, {pipeline_mode = #tpu.pipeline_mode<synchronous>, transform_indices = @transform_1, window_bounds = array<i64: 1024, 1024>}, {pipeline_mode = #tpu.pipeline_mode<synchronous>, transform_indices = @transform_2, window_bounds = array<i64: 128, 9>}, {pipeline_mode = #tpu.pipeline_mode<synchronous>, transform_indices = @transform_3, window_bounds = array<i64: 128, 1>}, {pipeline_mode = #tpu.pipeline_mode<synchronous>, transform_indices = @transform_4, window_bounds = array<i64: 128, 9>}, {pipeline_mode = #tpu.pipeline_mode<synchronous>, transform_indices = @transform_5, window_bounds = array<i64: 128, 1>}, {transform_indices = @transform_6, window_bounds = array<i64: 1, 256, 1024>}, {transform_indices = @transform_7, window_bounds = array<i64: 1, 1, 1024>}, {transform_indices = @transform_8, window_bounds = array<i64: 1, 1, 1024>}]} {
    %get3A = arith.constant 0 : index
    %get3A_0 = arith.constant 0 : index
    %get3A_1 = arith.constant 0 : index
    %get3A_2 = vector.load %arg1[%get3A, %get3A_0, %get3A_1] : memref<1x9x1024xf32, #tpu.memory_space<vmem>>, vector<1x9x1024xf32>
    %get3A_3 = vector.shape_cast %get3A_2 : vector<1x9x1024xf32> to vector<9x1024xf32>
    %get3A_4 = arith.constant 0 : index
    %get3A_5 = arith.constant 0 : index
    %get3A_6 = vector.load %arg2[%get3A_4, %get3A_5] : memref<1024x1024xf32, #tpu.memory_space<vmem>>, vector<1024x1024xf32>
    %dot_general3A = arith.constant dense<0.000000e+00> : vector<9x1024xf32>
    %dot_general3A_7 = tpu.matmul %get3A_3, %get3A_6, %dot_general3A {dimension_numbers = #tpu.dot_dimension_numbers<[1], [0], [0], [1], [0, 0, 1, 1], [], []>, precision = #tpu.contract_precision<fp32>, transpose_lhs_hint = false} : vector<9x1024xf32>, vector<1024x1024xf32>, vector<9x1024xf32> -> vector<9x1024xf32>
    %atan23A = math.atan2 %dot_general3A_7, %get3A_3 : vector<9x1024xf32>
    %reduce_sum3A = arith.constant dense<0.000000e+00> : vector<1024xf32>
    %reduce_sum3A_8 = vector.multi_reduction <add>, %atan23A, %reduce_sum3A [0] : vector<9x1024xf32> to vector<1024xf32>
    %broadcast_in_dim3A = vector.shape_cast %reduce_sum3A_8 : vector<1024xf32> to vector<1x1024xf32>
    %div3A = arith.constant 9.000000e+00 : f32
    %div3A_9 = vector.broadcast %div3A : f32 to vector<1x1024xf32>
    %div3A_10 = arith.divf %broadcast_in_dim3A, %div3A_9 : vector<1x1024xf32>
    %swap3A = arith.constant 0 : index
    %swap3A_11 = arith.constant 0 : index
    %swap3A_12 = arith.constant 0 : index
    %swap3A_13 = vector.load %arg9[%swap3A, %swap3A_11, %swap3A_12] : memref<1x1x1024xf32, #tpu.memory_space<vmem>>, vector<1x1x1024xf32>
    %swap3A_14 = vector.shape_cast %swap3A_13 : vector<1x1x1024xf32> to vector<1x1024xf32>
    %swap3A_15 = vector.shape_cast %div3A_10 : vector<1x1024xf32> to vector<1x1x1024xf32>
    tpu.vector_store %arg9[%swap3A, %swap3A_11, %swap3A_12], %swap3A_15 {strides = array<i32>} : memref<1x1x1024xf32, #tpu.memory_space<vmem>>, vector<1x1x1024xf32>,
    %get3A_16 = arith.constant 0 : index
    %get3A_17 = arith.constant 0 : index
    %get3A_18 = vector.load %arg3[%get3A_16, %get3A_17] : memref<128x9xf32, #tpu.memory_space<vmem>>, vector<128x9xf32>
    %dot_general3A_19 = arith.constant dense<0.000000e+00> : vector<128x1024xf32>
    %dot_general3A_20 = tpu.matmul %get3A_18, %get3A_3, %dot_general3A_19 {dimension_numbers = #tpu.dot_dimension_numbers<[1], [0], [0], [1], [0, 0, 1, 1], [], []>, transpose_lhs_hint = false} : vector<128x9xf32>, vector<9x1024xf32>, vector<128x1024xf32> -> vector<128x1024xf32>
    %get3A_21 = arith.constant 0 : index
    %get3A_22 = arith.constant 0 : index
    %get3A_23 = vector.load %arg4[%get3A_21, %get3A_22] : memref<128x1xf32, #tpu.memory_space<vmem>>, vector<128x1xf32>
    %add3A = vector.broadcast %get3A_23 : vector<128x1xf32> to vector<128x1024xf32>
    %add3A_24 = arith.addf %dot_general3A_20, %add3A : vector<128x1024xf32>
    %slice3A = vector.extract_strided_slice %get3A_3 {offsets = [0, 0], sizes = [7, 1024], strides = [1, 1]} : vector<9x1024xf32> to vector<7x1024xf32>
    %cos3A = math.cos %div3A_10 : vector<1x1024xf32>
    %sin3A = math.sin %div3A_10 : vector<1x1024xf32>
    %concatenate3A = tpu.concatenate %slice3A, %cos3A, %sin3A in 0 : vector<7x1024xf32>, vector<1x1024xf32>, vector<1x1024xf32> -> vector<9x1024xf32>
    %get3A_25 = arith.constant 0 : index
    %get3A_26 = arith.constant 0 : index
    %get3A_27 = vector.load %arg5[%get3A_25, %get3A_26] : memref<128x9xf32, #tpu.memory_space<vmem>>, vector<128x9xf32>
    %dot_general3A_28 = arith.constant dense<0.000000e+00> : vector<128x1024xf32>
    %dot_general3A_29 = tpu.matmul %get3A_27, %concatenate3A, %dot_general3A_28 {dimension_numbers = #tpu.dot_dimension_numbers<[1], [0], [0], [1], [0, 0, 1, 1], [], []>, transpose_lhs_hint = false} : vector<128x9xf32>, vector<9x1024xf32>, vector<128x1024xf32> -> vector<128x1024xf32>
    %get3A_30 = arith.constant 0 : index
    %get3A_31 = arith.constant 0 : index
    %get3A_32 = vector.load %arg6[%get3A_30, %get3A_31] : memref<128x1xf32, #tpu.memory_space<vmem>>, vector<128x1xf32>
    %add3A_33 = vector.broadcast %get3A_32 : vector<128x1xf32> to vector<128x1024xf32>
    %add3A_34 = arith.addf %dot_general3A_29, %add3A_33 : vector<128x1024xf32>
    %concatenate3A_35 = tpu.concatenate %add3A_24, %add3A_34 in 0 : vector<128x1024xf32>, vector<128x1024xf32> -> vector<256x1024xf32>
    %swap3A_36 = arith.constant 0 : index
    %swap3A_37 = arith.constant 0 : index
    %swap3A_38 = arith.constant 0 : index
    %swap3A_39 = vector.load %arg7[%swap3A_36, %swap3A_37, %swap3A_38] : memref<1x256x1024xf32, #tpu.memory_space<vmem>>, vector<1x256x1024xf32>
    %swap3A_40 = vector.shape_cast %swap3A_39 : vector<1x256x1024xf32> to vector<256x1024xf32>
    %swap3A_41 = vector.shape_cast %concatenate3A_35 : vector<256x1024xf32> to vector<1x256x1024xf32>
    tpu.vector_store %arg7[%swap3A_36, %swap3A_37, %swap3A_38], %swap3A_41 {strides = array<i32>} : memref<1x256x1024xf32, #tpu.memory_space<vmem>>, vector<1x256x1024xf32>,
    %mul3A = arith.mulf %concatenate3A_35, %concatenate3A_35 : vector<256x1024xf32>
    %reduce_sum3A_42 = arith.constant dense<0.000000e+00> : vector<1024xf32>
    %reduce_sum3A_43 = vector.multi_reduction <add>, %mul3A, %reduce_sum3A_42 [0] : vector<256x1024xf32> to vector<1024xf32>
    %broadcast_in_dim3A_44 = vector.shape_cast %reduce_sum3A_43 : vector<1024xf32> to vector<1x1024xf32>
    %swap3A_45 = arith.constant 0 : index
    %swap3A_46 = arith.constant 0 : index
    %swap3A_47 = arith.constant 0 : index
    %swap3A_48 = vector.load %arg8[%swap3A_45, %swap3A_46, %swap3A_47] : memref<1x1x1024xf32, #tpu.memory_space<vmem>>, vector<1x1x1024xf32>
    %swap3A_49 = vector.shape_cast %swap3A_48 : vector<1x1x1024xf32> to vector<1x1024xf32>
    %swap3A_50 = vector.shape_cast %broadcast_in_dim3A_44 : vector<1x1024xf32> to vector<1x1x1024xf32>
    tpu.vector_store %arg8[%swap3A_45, %swap3A_46, %swap3A_47], %swap3A_50 {strides = array<i32>} : memref<1x1x1024xf32, #tpu.memory_space<vmem>>, vector<1x1x1024xf32>,
    return
  }
  func.func @transform_0(%arg0: i32) -> (i32, i32, i32) {
    %c0_i32 = arith.constant 0 : i32
    %c0_i32_0 = arith.constant 0 : i32
    %c0_i32_1 = arith.constant 0 : i32
    return %arg0, %c0_i32, %c0_i32_0 : i32, i32, i32
  }
  func.func @transform_1(%arg0: i32) -> (i32, i32) {
    %c0_i32 = arith.constant 0 : i32
    %c0_i32_0 = arith.constant 0 : i32
    %c0_i32_1 = arith.constant 0 : i32
    return %c0_i32, %c0_i32_0 : i32, i32
  }
  func.func @transform_2(%arg0: i32) -> (i32, i32) {
    %c0_i32 = arith.constant 0 : i32
    %c0_i32_0 = arith.constant 0 : i32
    %c0_i32_1 = arith.constant 0 : i32
    return %c0_i32, %c0_i32_0 : i32, i32
  }
  func.func @transform_3(%arg0: i32) -> (i32, i32) {
    %c0_i32 = arith.constant 0 : i32
    %c0_i32_0 = arith.constant 0 : i32
    %c0_i32_1 = arith.constant 0 : i32
    return %c0_i32, %c0_i32_0 : i32, i32
  }
  func.func @transform_4(%arg0: i32) -> (i32, i32) {
    %c0_i32 = arith.constant 0 : i32
    %c0_i32_0 = arith.constant 0 : i32
    %c0_i32_1 = arith.constant 0 : i32
    return %c0_i32, %c0_i32_0 : i32, i32
  }
  func.func @transform_5(%arg0: i32) -> (i32, i32) {
    %c0_i32 = arith.constant 0 : i32
    %c0_i32_0 = arith.constant 0 : i32
    %c0_i32_1 = arith.constant 0 : i32
    return %c0_i32, %c0_i32_0 : i32, i32
  }
  func.func @transform_6(%arg0: i32) -> (i32, i32, i32) {
    %c0_i32 = arith.constant 0 : i32
    %c0_i32_0 = arith.constant 0 : i32
    %c0_i32_1 = arith.constant 0 : i32
    return %arg0, %c0_i32, %c0_i32_0 : i32, i32, i32
  }
  func.func @transform_7(%arg0: i32) -> (i32, i32, i32) {
    %c0_i32 = arith.constant 0 : i32
    %c0_i32_0 = arith.constant 0 : i32
    %c0_i32_1 = arith.constant 0 : i32
    return %arg0, %c0_i32, %c0_i32_0 : i32, i32, i32
  }
  func.func @transform_8(%arg0: i32) -> (i32, i32, i32) {
    %c0_i32 = arith.constant 0 : i32
    %c0_i32_0 = arith.constant 0 : i32
    %c0_i32_1 = arith.constant 0 : i32
    return %arg0, %c0_i32, %c0_i32_0 : i32, i32, i32
  }
}

</mosaic_0001>

<sc_bundles>
// kernel: kernel.5.cloned.1.call-start
scs
__scs_entry_jumppad:
0x0: {  	(pc) =	sbr.rel $0x88, $3  }
0x1: {  	(tag) =	ssettag $0x0;
	lr =	simm.s32 $0x1  }
0x2: {  	[smem:$0x3F9B] =	sst lr;
	_ =	strace $0xD0000000  }
0x3: {  	_ = 	snop  }
0x4: {  	_ = 	snop  }
0x5: {  	_ = 	snop  }
0x6: {  	_ = 	snop  }
0x7: {  	_ = 	snop  }
__scs_overlays_trampoline_lowered:
0x8: {  	[smem:$0x3FAA] =	sst s0  }
0x9: {  	[smem:$0x3FAB] =	sst s1  }
0xa: {  	[smem:$0x3FAC] =	sst s2  }
0xb: {  	[smem:$0x3FAD] =	sst s3  }
0xc: {  	[smem:$0x3FAE] =	sst s4  }
0xd: {  	[smem:$0x3FAF] =	sst s5  }
0xe: {  	[smem:$0x3FB0] =	sst s6  }
0xf: {  	[smem:$0x3FB1] =	sst s7  }
0x10: {  	[smem:$0x3FB2] =	sst s8  }
0x11: {  	[smem:$0x3FB3] =	sst s9;
	s0 =	simm.s32 @!p0 $0x0  }
0x12: {  	s1 =	sld [smem:$0x3F99];
	s0 =	simm.s32 @p0 $0x1  }
0x13: {  	[smem:$0x3FB4] =	sst s0;
	s0 =	simm.s32 @!p1 $0x0  }
0x14: {  	s2 =	sld [smem:$0x3F98];
	s0 =	simm.s32 @p1 $0x1  }
0x15: {  	[smem:$0x3FB5] =	sst s0;
	s0 =	simm.s32 @!p2 $0x0  }
0x16: {  	s3 =	sld [smem:$0x3FDB];
	s0 =	simm.s32 @p2 $0x1  }
0x17: {  	s4 =	simm.s32 $0x1BF5;
	[smem:$0x3FB7] =	sst s0  }
0x18: {  	s0 =	sld [smem:$0x3F9A];
	_ =	swait.ge [sflag:s4], $0x0  }
0x19: {  	s7 =	sld [smem:$0x3F9B]  }
0x1a: {  	s8 =	sadd.s32 $0xFFFFE003, lr  }
0x1b: {  	s9 =	sadd.s32 $0xFFFFFEF7, lr;
	s5 =	simm.s32 $0xFFFFFFFF;
	p2 =	slt.u32 s8, $0xFFFFF086  }
0x1c: {  	p1 =	slt.u32 s9, $0xF7A;
	s5 =	simm.s32 @!p2 $0x0  }
0x1d: {  	s5 =	simm.s32 @p1 $0x1;
	p0 =	seq.s32 s7, s2  }
0x1e: {  	s7 =	smul.u32 @!p0 $0xF7A, s2;
	p2 =	seq.s32 @!p0 s5, $0x0  }
0x1f: {  	s9 =	smul.u32 $0xF7A, s1;
	s8 =	simm.s32 @!p0 $0x1BF5;
	p2 =	por !p2, p0  }
0x20: {  	[sflag:s8] =	ssyncset.s32 @!p0 $0xFFFFF086;
	s6 =	sadd.s32 @!p0 s3, s7;
	s7 =	simm.s32 @!p0 $0x108  }
0x21: {  	s3 =	sadd.s32 s3, s9;
	s6 =	sadd.s32 @!p0 $0x88, s6;
	s7 =	simm.s32 @p2 $0x1082  }
0x22: {  	[simem:s7], [sflag:s8] =	dma.local @!p0 [hbm:s6], $0xF7A  }
0x23: {  	s9 =	sor.u32 $0xD0000000, s2;
	s6 =	simm.s32 $0x108;
	_ =	swait.ge @!p0 [sflag:s8], $0x0  }
0x24: {  	s3 =	sadd.s32 $0x88, s3;
	s6 =	simm.s32 @!p1 $0x1082;
	[sflag:s4] =	ssyncset.s32 $0xFFFFF086  }
0x25: {  	[simem:s6], [sflag:s4] =	dma.local [hbm:s3], $0xF7A  }
0x26: {  	[smem:$0x3F9B] =	sst s1;
	(tag) =	ssettag s2;
	_ =	strace s9  }
0x27: {  	s1 =	sld [smem:$0x3FAB]  }
0x28: {  	s2 =	sld [smem:$0x3FAC]  }
0x29: {  	s4 =	sld [smem:$0x3FAE]  }
0x2a: {  	p0 =	seq.s32 s5, $0x0;
	s5 =	sld [smem:$0x3FAF]  }
0x2b: {  	s6 =	sld [smem:$0x3FB0]  }
0x2c: {  	s7 =	sld [smem:$0x3FB1]  }
0x2d: {  	s3 =	simm.s32 $0x108;
	s8 =	sld [smem:$0x3FB2]  }
0x2e: {  	s3 =	simm.s32 @!p0 $0x1082;
	s9 =	sld [smem:$0x3FB3]  }
0x2f: {  	lr =	sadd.s32 s0, s3;
	s0 =	sld [smem:$0x3FAA]  }
0x30: {  	s3 =	sld [smem:$0x3FAD]  }
0x31: {  	[smem:$0x3FB6] =	sst s10  }
0x32: {  	s10 =	sld [smem:$0x3FB4];
	_ =	sdelay $0x3  }
0x33: {  	p0 =	seq.s32 s10, $0x1;
	s10 =	sld [smem:$0x3FB6];
	_ =	sdelay $0x3  }
0x34: {  	[smem:$0x3FB6] =	sst s10  }
0x35: {  	s10 =	sld [smem:$0x3FB5];
	_ =	sdelay $0x3  }
0x36: {  	p1 =	seq.s32 s10, $0x1;
	s10 =	sld [smem:$0x3FB6];
	_ =	sdelay $0x3  }
0x37: {  	[smem:$0x3FB6] =	sst s10  }
0x38: {  	s10 =	sld [smem:$0x3FB7]  }
0x39: {  	_ = 	snop;
	(pc) =	sbr.ind lr, $3  }
0x3a: {  	_ = 	snop  }
0x3b: {  	_ = 	snop  }
0x3c: {  	p2 =	seq.s32 s10, $0x1;
	s10 =	sld [smem:$0x3FB6]  }
0x3d: {  	_ =	shalt  }
0x3e: {  	_ =	shalt  }
0x3f: {  	_ =	shalt  }
0x40: {  	_ =	shalt  }
0x41: {  	_ =	shalt  }
0x42: {  	_ =	shalt  }
0x43: {  	_ =	shalt  }
0x44: {  	_ =	shalt  }
0x45: {  	_ =	shalt  }
0x46: {  	_ =	shalt  }
0x47: {  	_ =	shalt  }
0x48: {  	_ =	shalt  }
0x49: {  	_ =	shalt  }
0x4a: {  	_ =	shalt  }
0x4b: {  	_ =	shalt  }
0x4c: {  	_ =	shalt  }
0x4d: {  	_ =	shalt  }
0x4e: {  	_ =	shalt  }
0x4f: {  	_ =	shalt  }
0x50: {  	_ =	shalt  }
0x51: {  	_ =	shalt  }
0x52: {  	_ =	shalt  }
0x53: {  	_ =	shalt  }
0x54: {  	_ =	shalt  }
0x55: {  	_ =	shalt  }
0x56: {  	_ =	shalt  }
0x57: {  	_ =	shalt  }
0x58: {  	_ =	shalt  }
0x59: {  	_ =	shalt  }
0x5a: {  	_ =	shalt  }
0x5b: {  	_ =	shalt  }
0x5c: {  	_ =	shalt  }
0x5d: {  	_ =	shalt  }
0x5e: {  	_ =	shalt  }
0x5f: {  	_ =	shalt  }
0x60: {  	_ =	shalt  }
0x61: {  	_ =	shalt  }
0x62: {  	_ =	shalt  }
0x63: {  	_ =	shalt  }
0x64: {  	_ =	shalt  }
0x65: {  	_ =	shalt  }
0x66: {  	_ =	shalt  }
0x67: {  	_ =	shalt  }
0x68: {  	_ =	shalt  }
0x69: {  	_ =	shalt  }
0x6a: {  	_ =	shalt  }
0x6b: {  	_ =	shalt  }
0x6c: {  	_ =	shalt  }
0x6d: {  	_ =	shalt  }
0x6e: {  	_ =	shalt  }
0x6f: {  	_ =	shalt  }
0x70: {  	_ =	shalt  }
0x71: {  	_ =	shalt  }
0x72: {  	_ =	shalt  }
0x73: {  	_ =	shalt  }
0x74: {  	_ =	shalt  }
0x75: {  	_ =	shalt  }
0x76: {  	_ =	shalt  }
0x77: {  	_ =	shalt  }
0x78: {  	_ =	shalt  }
0x79: {  	_ =	shalt  }
0x7a: {  	_ =	shalt  }
0x7b: {  	_ =	shalt  }
0x7c: {  	_ =	shalt  }
0x7d: {  	_ =	shalt  }
0x7e: {  	_ =	shalt  }
0x7f: {  	_ =	shalt  }
0x80: {  	_ =	shalt  }
0x81: {  	_ =	shalt  }
0x82: {  	_ =	shalt  }
0x83: {  	_ =	shalt  }
0x84: {  	_ =	shalt  }
0x85: {  	_ =	shalt  }
0x86: {  	_ =	shalt  }
0x87: {  	_ =	shalt  }
.Lfunc_end0:
.L_simem_size_0:
called_computation_lowered:
.L_overlay_start_0:
0x88: {  	s2 =	sld [smem:$0x3FD9]  }
0x89: {  	s3 =	sld [smem:$0x3FFE];
	_ =	sdelay $0x1  }
0x8a: {  	s1 =	srdreg.scid  }
0x8b: {  	s0 =	sand.u32 $0x1, s1  }
0x8c: {  	s14 =	sshll.u32 s0, $0xA;
	s2 =	sadd.s32 s3, s2  }
0x8d: {  	s2 =	sadd.s32 s2, s14  }
0x8e: {  	[smem:$0x3FC2] =	sst s2  }
0x8f: {  	_ = 	snop  }
0x90: {  	s2 =	sld [smem:$0x3FD0];
	_ =	sdelay $0x2  }
0x91: {  	s4 =	simm.s32 $0xA;
	s5 =	simm.s32 $0x10;
	s15 =	sld [smem:$0x3FC4]  }
0x92: {  	[smem:s5], [sflag:s4] =	dma.local [hbm:s2], $0x1  }
0x93: {  	_ =	swait.eq [sflag:s4], $0x1  }
0x94: {  	[sflag:s4] =	ssyncset.done $0x0  }
0x95: {  	[sflag:s4] =	ssyncadd.s32 $0xFFFFFFFF  }
0x96: {  	s16 =	sld [smem:$0x10];
	(tm) =	ssettm $0x1  }
0x97: {  	s17 =	sld [smem:$0x3FFB];
	_ =	sdelay $0x3  }
0x98: {  	_ =	strace s17  }
0x99: {  	s4 =	sld [smem:$0x3FFC];
	_ =	sdelay $0x3  }
0x9a: {  	_ =	strace s4  }
0x9b: {  	s4 =	sld [smem:$0x3FFD];
	_ =	sdelay $0x3  }
0x9c: {  	_ =	strace s4  }
0x9d: {  	_ =	strace $0x8FFFFFFF  }
0x9e: {  	s18 =	sld [smem:$0x3FDB];
	_ =	sdelay $0x1  }
0x9f: {  	s19 =	simm.s32 $_scs_section_size  }
0xa0: {  	s6 =	simm.s32 $_size__tile_overlayer_lowered;
	s7 =	simm.s32 $_tile_overlayer_lowered  }
0xa1: {  	s22 =	simm.s32 $0x1BFF;
	s21 =	sshll.u32 s7, $0x1;
	s4 =	sadd.s32 s19, s18  }
0xa2: {  	s8 =	simm.s32 $0x0;
	s20 =	sshll.u32 s6, $0x1;
	s6 =	sadd.s32 s21, s4  }
0xa3: {  	[timem:s8], [sflag:s22] =	dma.local [hbm:s6], s20  }
0xa4: {  	_ =	swait.ge [sflag:s22], s20  }
0xa5: {  	s5 =	ssub.s32 $0x0, s20;
	[sflag:s22] =	ssyncset.done $0x0  }
0xa6: {  	[sflag:s22] =	ssyncadd.s32 s5;
	_ =	sdelay $0x1  }
0xa7: {  	s23 =	simm.s32 $0x1B8B  }
0xa8: {  	_ =	swait.ge [sflag:s23], $0x1  }
0xa9: {  	[sflag:s23] =	ssyncset.done $0x0  }
0xaa: {  	s25 =	simm.s32 $0x1B8E;
	s24 =	sld [smem:$0x3FFE];
	[sflag:s23] =	ssyncadd.s32 $0xFFFFFFFF  }
0xab: {  	s26 =	simm.s32 $execute0_lowered;
	[smem:$0x3FD2] =	sst s25  }
0xac: {  	s6 =	sshll.u32 s26, $0x1;
	_ =	strace $0x80000046;
	[dreg:$0x1] =	wrdreg $0xFFFFFFFF  }
0xad: {  	s28 =	simm.s32 $_size_execute0_lowered;
	s4 =	sadd.s32 s4, s6;
	[dreg:$0x0] =	wrdreg $0x0  }
0xae: {  	s6 =	sshll.u32 s28, $0x1;
	[dreg:$0x2] =	wrdreg s4  }
0xaf: {  	[dreg:$0x3] =	wrdreg s6  }
0xb0: {  	[dreg:$0x4] =	wrdreg $0xC0  }
0xb1: {  	_ =	task [dreg:s8], $0x5FFFF  }
0xb2: {  	[dreg:$0x1] =	wrdreg $0xFFFFFFFF  }
0xb3: {  	[dreg:$0x0] =	wrdreg $0x60  }
0xb4: {  	[dreg:$0x2] =	wrdreg s15  }
0xb5: {  	[dreg:$0x3] =	wrdreg s24  }
0xb6: {  	[dreg:$0x4] =	wrdreg s16  }
0xb7: {  	[dreg:$0x5] =	wrdreg $0x9  }
0xb8: {  	_ =	task.clear_ibuf [dreg:s8], $0x6FFFF;
	_ =	strace $0x90000046  }
0xb9: {  	s29 =	simm.s32 $0x9;
	_ =	strace $0x80000048  }
0xba: {  	_ =	swait.ge [sflag:s29], $0x1  }
0xbb: {  	[sflag:s29] =	ssyncadd.s32 $0xFFFFFFFF  }
0xbc: {  	_ =	strace $0x90000048  }
0xbd: {  	_ =	sfence  }
0xbe: {  	s30 =	sld [smem:$0x0];
	_ =	sdelay $0x2  }
0xbf: {  	s31 =	sshll.u32 s1, $0xD;
	s1 =	sshrl.u32 s1, $0x2  }
0xc0: {  	s3 =	sand.u32 $0x4000, s31;
	s1 =	sadd.s32 s1, s30  }
0xc1: {  	s0 =	sor.u32 s3, s0;
	s1 =	sshll.u32 s1, $0x11  }
0xc2: {  	s0 =	sor.u32 s1, s0  }
0xc3: {  	s0 =	sadd.s32 $0x8F2B, s0  }
0xc4: {  	[sflag:s0] =	ssyncadd.remote.s32 $0x1  }
0xc5: {  	_ =	sfence.sel $0xFFFF  }
0xc6: {  	[dreg:$0x0] =	wrdreg $0xFFFFFFFF;
	(pc) =	sbr.abs _section_cstart, $3  }
0xc7: {  	[dreg:$0x1] =	wrdreg $0xFFFFFFFF  }
0xc8: {  	_ =	task.clear_ibuf [dreg:s8], $0x2FFFF;
	_ =	strace $0x9FFFFFFF  }
0xc9: {  	(tm) =	ssettm $0x7FFFFFFF  }
tec
execute0_lowered:
.L_overlay_start_1:
0x0: {  	(tag) =	ssettag $0x1  }
0x1: {  	s1 =	rddreg [dreg:$0x0]  }
0x2: {  	s0 =	srdreg.scid;
	s2 =	rddreg [dreg:$0x1]  }
0x3: {  	s3 =	stileid.u32;
	s5 =	rddreg [dreg:$0x2];
	s28 =	simm.s32 $0x4A00  }
0x4: {  	s29 =	simm.s32 $0x5200;
	s30 =	simm.s32 $0x5A00;
	s31 =	simm.s32 $0x6200  }
0x5: {  	s9 =	simm.s32 $0x7A00;
	s10 =	simm.s32 $0x8A00;
	s11 =	simm.s32 $0x9200  }
0x6: {  	s12 =	simm.s32 $0x9A00;
	s13 =	simm.s32 $0xA200;
	s0 =	sand.u32 $0x1, s0  }
0x7: {  	s14 =	simm.s32 $0xB200;
	s3 =	sshll.u32 s3, $0xA;
	s4 =	sshll.u32 s0, $0x9  }
0x8: {  	s15 =	simm.s32 $0xBA00;
	s16 =	simm.s32 $0xC200;
	s4 =	sor.u32 s4, s3  }
0x9: {  	s3 =	simm.s32 $0x0;
	s6 =	sshrl.u32 s4, $0x3;
	s4 =	sshll.u32 s4, $0x5  }
0xa: {  	[smem:$0x7FF] =	sst s3;
	s2 =	sadd.s32 s6, s2;
	s4 =	sadd.s32 s5, s4  }
0xb: {  	_ =	strace $0x80000047;
	s2 =	sadd.s32 $0x1000, s2;
	[dreg:$0xc] =	wrdreg s4  }
0xc: {  	s17 =	simm.s32 $0x1;
	s19 =	sadd.s32 $0x800, s4;
	[dreg:$0x4] =	wrdreg s2  }
0xd: {  	s0 =	ssub.s32 $0x2, s0;
	s20 =	sadd.s32 $0x1000, s4;
	[dreg:$0x5] =	wrdreg s19  }
0xe: {  	s24 =	sshrl.u32 s0, $0x1;
	s21 =	sadd.s32 $0x1800, s4;
	[dreg:$0x6] =	wrdreg s20  }
0xf: {  	s0 =	ssub.s32 s0, s24;
	s22 =	sadd.s32 $0x2000, s4;
	[dreg:$0x7] =	wrdreg s21  }
0x10: {  	s24 =	simm.s32 $0x2A00;
	s23 =	sadd.s32 $0x2800, s4;
	[dreg:$0x8] =	wrdreg s22  }
0x11: {  	s5 =	smax.u32 s0, $0x1;
	s25 =	sadd.s32 $0x3000, s4;
	[dreg:$0x9] =	wrdreg s23  }
0x12: {  	s6 =	simm.s32 $0x5;
	s26 =	sadd.s32 $0x3800, s4;
	[dreg:$0xa] =	wrdreg s25  }
0x13: {  	v2 =	vlaneseq.u32;
	s4 =	simm.s32 $0x4;
	[dreg:$0xb] =	wrdreg s26;
	s20 =	simm.s32 $0x1200  }
0x14: {  	vm0 =	vmmov $0xffff;
	v1 =	vshrl.u32 v2, $0x3;
	s21 =	simm.s32 $0x1A00;
	s22 =	simm.s32 $0x2200;
	s25 =	simm.s32 $0x3200  }
0x15: {  	v0 =	vand.u32 $0x7, v2;
	v2 =	vor.u32 $0x8, v2;
	v1 =	vmul.u32 $0x8, v1;
	s26 =	simm.s32 $0x3A00;
	s23 =	simm.s32 $0x4200;
	s2 =	simm.s32 $0x8200  }
.LBB2_1:
0x16: {  	s19 =	rddreg [dreg:$0x4]  }
0x17: {  	[tilespmem:s3], [sflag:$0x5] =	stream.linear.gather [hbm4b:s19+s3], $0x200, $0x38;
	[tilespmem:$0x10200] =	vst v63  }
0x18: {  	_ =	swait.ge [sflag:s6], $0x200  }
0x19: {  	[sflag:s6] =	ssyncset.done $0x0  }
0x1a: {  	[sflag:s6] =	ssyncadd.s32 $0xFFFFFE00  }
0x1b: {  	v3 =	vld [tilespmem:$0x0];
	_ =	sdelay $0x4  }
0x1c: {  	v4 =	vshll.u32 v3, $0x1  }
0x1d: {  	v3 =	vand.u32 $0x7, v3;
	v4 =	vand.u32 $0xFFFFFFF0, v4  }
0x1e: {  	v3 =	vor.u32 v3, v4  }
0x1f: {  	v4 =	vperm.xlane v3, v0;
	_ =	sdelay $0x1  }
0x20: {  	v3 =	vperm.xlane v3, v2;
	v4 =	vadd.s32 v1, v4;
	_ =	sdelay $0x1  }
0x21: {  	v3 =	vadd.s32 v1, v3;
	_ =	sdelay $0x1  }
0x22: {  	s0 =	simm.s32 $0x200  }
0x23: {  	[tilespmem:s0], [sflag:$0x1] =	stream.indirect_vreg.gather [hbm4b:s1+s3], $0x80, v4, vm0, $0xb8;
	[tilespmem:$0x10200] =	vst v63  }
0x24: {  	s19 =	simm.s32 $0xA00  }
0x25: {  	[tilespmem:s19], [sflag:$0x1] =	stream.indirect_vreg.gather [hbm4b:s1+s3], $0x80, v3, vm0, $0xb8;
	[tilespmem:$0x10200] =	vst v63  }
0x26: {  	v3 =	vld [tilespmem:$0x10];
	_ =	sdelay $0x4  }
0x27: {  	v33 =	vshll.u32 v3, $0x1  }
0x28: {  	v3 =	vand.u32 $0x7, v3;
	v4 =	vand.u32 $0xFFFFFFF0, v33  }
0x29: {  	v3 =	vor.u32 v3, v4  }
0x2a: {  	v4 =	vperm.xlane v3, v0;
	_ =	sdelay $0x1  }
0x2b: {  	v3 =	vperm.xlane v3, v2;
	v4 =	vadd.s32 v1, v4;
	_ =	sdelay $0x1  }
0x2c: {  	v3 =	vadd.s32 v1, v3;
	_ =	sdelay $0x2  }
0x2d: {  	[tilespmem:s20], [sflag:$0x1] =	stream.indirect_vreg.gather [hbm4b:s1+s3], $0x80, v4, vm0, $0xb8;
	[tilespmem:$0x10200] =	vst v63  }
0x2e: {  	_ = 	snop  }
0x2f: {  	[tilespmem:s21], [sflag:$0x1] =	stream.indirect_vreg.gather [hbm4b:s1+s3], $0x80, v3, vm0, $0xb8;
	[tilespmem:$0x10200] =	vst v63  }
0x30: {  	v3 =	vld [tilespmem:$0x20];
	_ =	sdelay $0x4  }
0x31: {  	v34 =	vshll.u32 v3, $0x1  }
0x32: {  	v3 =	vand.u32 $0x7, v3;
	v4 =	vand.u32 $0xFFFFFFF0, v34  }
0x33: {  	v3 =	vor.u32 v3, v4  }
0x34: {  	v4 =	vperm.xlane v3, v0;
	_ =	sdelay $0x1  }
0x35: {  	v3 =	vperm.xlane v3, v2;
	v4 =	vadd.s32 v1, v4;
	_ =	sdelay $0x1  }
0x36: {  	v3 =	vadd.s32 v1, v3;
	_ =	sdelay $0x2  }
0x37: {  	[tilespmem:s22], [sflag:$0x1] =	stream.indirect_vreg.gather [hbm4b:s1+s3], $0x80, v4, vm0, $0xb8;
	[tilespmem:$0x10200] =	vst v63  }
0x38: {  	_ = 	snop  }
0x39: {  	[tilespmem:s24], [sflag:$0x1] =	stream.indirect_vreg.gather [hbm4b:s1+s3], $0x80, v3, vm0, $0xb8;
	[tilespmem:$0x10200] =	vst v63  }
0x3a: {  	v3 =	vld [tilespmem:$0x30];
	_ =	sdelay $0x4  }
0x3b: {  	v35 =	vshll.u32 v3, $0x1  }
0x3c: {  	v3 =	vand.u32 $0x7, v3;
	v4 =	vand.u32 $0xFFFFFFF0, v35  }
0x3d: {  	v3 =	vor.u32 v3, v4  }
0x3e: {  	v4 =	vperm.xlane v3, v0;
	_ =	sdelay $0x1  }
0x3f: {  	v3 =	vperm.xlane v3, v2;
	v4 =	vadd.s32 v1, v4;
	_ =	sdelay $0x1  }
0x40: {  	v3 =	vadd.s32 v1, v3;
	_ =	sdelay $0x2  }
0x41: {  	[tilespmem:s25], [sflag:$0x1] =	stream.indirect_vreg.gather [hbm4b:s1+s3], $0x80, v4, vm0, $0xb8;
	[tilespmem:$0x10200] =	vst v63  }
0x42: {  	_ = 	snop  }
0x43: {  	[tilespmem:s26], [sflag:$0x1] =	stream.indirect_vreg.gather [hbm4b:s1+s3], $0x80, v3, vm0, $0xb8;
	[tilespmem:$0x10200] =	vst v63  }
0x44: {  	v3 =	vld [tilespmem:$0x40];
	_ =	sdelay $0x4  }
0x45: {  	v36 =	vshll.u32 v3, $0x1  }
0x46: {  	v3 =	vand.u32 $0x7, v3;
	v4 =	vand.u32 $0xFFFFFFF0, v36  }
0x47: {  	v3 =	vor.u32 v3, v4  }
0x48: {  	v4 =	vperm.xlane v3, v0;
	_ =	sdelay $0x1  }
0x49: {  	v3 =	vperm.xlane v3, v2;
	v4 =	vadd.s32 v1, v4;
	_ =	sdelay $0x1  }
0x4a: {  	v3 =	vadd.s32 v1, v3;
	_ =	sdelay $0x2  }
0x4b: {  	[tilespmem:s23], [sflag:$0x2] =	stream.indirect_vreg.gather [hbm4b:s1+s3], $0x80, v4, vm0, $0xb8;
	[tilespmem:$0x10200] =	vst v63  }
0x4c: {  	_ = 	snop  }
0x4d: {  	[tilespmem:s28], [sflag:$0x2] =	stream.indirect_vreg.gather [hbm4b:s1+s3], $0x80, v3, vm0, $0xb8;
	[tilespmem:$0x10200] =	vst v63  }
0x4e: {  	v3 =	vld [tilespmem:$0x50];
	_ =	sdelay $0x4  }
0x4f: {  	v37 =	vshll.u32 v3, $0x1  }
0x50: {  	v3 =	vand.u32 $0x7, v3;
	v4 =	vand.u32 $0xFFFFFFF0, v37  }
0x51: {  	v3 =	vor.u32 v3, v4  }
0x52: {  	v4 =	vperm.xlane v3, v0;
	_ =	sdelay $0x1  }
0x53: {  	v3 =	vperm.xlane v3, v2;
	v4 =	vadd.s32 v1, v4;
	_ =	sdelay $0x1  }
0x54: {  	v3 =	vadd.s32 v1, v3;
	_ =	sdelay $0x2  }
0x55: {  	[tilespmem:s29], [sflag:$0x2] =	stream.indirect_vreg.gather [hbm4b:s1+s3], $0x80, v4, vm0, $0xb8;
	[tilespmem:$0x10200] =	vst v63  }
0x56: {  	_ = 	snop  }
0x57: {  	[tilespmem:s30], [sflag:$0x2] =	stream.indirect_vreg.gather [hbm4b:s1+s3], $0x80, v3, vm0, $0xb8;
	[tilespmem:$0x10200] =	vst v63  }
0x58: {  	v3 =	vld [tilespmem:$0x60];
	_ =	sdelay $0x4  }
0x59: {  	v38 =	vshll.u32 v3, $0x1  }
0x5a: {  	v3 =	vand.u32 $0x7, v3;
	v4 =	vand.u32 $0xFFFFFFF0, v38  }
0x5b: {  	v3 =	vor.u32 v3, v4  }
0x5c: {  	v4 =	vperm.xlane v3, v0;
	_ =	sdelay $0x1  }
0x5d: {  	v3 =	vperm.xlane v3, v2;
	v4 =	vadd.s32 v1, v4;
	_ =	sdelay $0x1  }
0x5e: {  	v3 =	vadd.s32 v1, v3;
	_ =	sdelay $0x2  }
0x5f: {  	[tilespmem:s31], [sflag:$0x2] =	stream.indirect_vreg.gather [hbm4b:s1+s3], $0x80, v4, vm0, $0xb8;
	[tilespmem:$0x10200] =	vst v63  }
0x60: {  	s0 =	simm.s32 $0x6A00  }
0x61: {  	[tilespmem:s0], [sflag:$0x2] =	stream.indirect_vreg.gather [hbm4b:s1+s3], $0x80, v3, vm0, $0xb8;
	[tilespmem:$0x10200] =	vst v63  }
0x62: {  	v3 =	vld [tilespmem:$0x70];
	_ =	sdelay $0x4  }
0x63: {  	v39 =	vshll.u32 v3, $0x1  }
0x64: {  	v3 =	vand.u32 $0x7, v3;
	v4 =	vand.u32 $0xFFFFFFF0, v39  }
0x65: {  	v3 =	vor.u32 v3, v4  }
0x66: {  	v4 =	vperm.xlane v3, v0;
	_ =	sdelay $0x1  }
0x67: {  	v3 =	vperm.xlane v3, v2;
	v4 =	vadd.s32 v1, v4;
	_ =	sdelay $0x1  }
0x68: {  	v3 =	vadd.s32 v1, v3;
	_ =	sdelay $0x1  }
0x69: {  	s8 =	simm.s32 $0x7200  }
0x6a: {  	[tilespmem:s8], [sflag:$0x2] =	stream.indirect_vreg.gather [hbm4b:s1+s3], $0x80, v4, vm0, $0xb8;
	[tilespmem:$0x10200] =	vst v63  }
0x6b: {  	_ = 	snop  }
0x6c: {  	[tilespmem:s9], [sflag:$0x2] =	stream.indirect_vreg.gather [hbm4b:s1+s3], $0x80, v3, vm0, $0xb8;
	[tilespmem:$0x10200] =	vst v63  }
0x6d: {  	v3 =	vld [tilespmem:$0x80];
	_ =	sdelay $0x4  }
0x6e: {  	v40 =	vshll.u32 v3, $0x1  }
0x6f: {  	v3 =	vand.u32 $0x7, v3;
	v4 =	vand.u32 $0xFFFFFFF0, v40  }
0x70: {  	v3 =	vor.u32 v3, v4  }
0x71: {  	v4 =	vperm.xlane v3, v0;
	_ =	sdelay $0x1  }
0x72: {  	v3 =	vperm.xlane v3, v2;
	v4 =	vadd.s32 v1, v4;
	_ =	sdelay $0x1  }
0x73: {  	v3 =	vadd.s32 v1, v3;
	_ =	sdelay $0x2  }
0x74: {  	[tilespmem:s2], [sflag:$0x3] =	stream.indirect_vreg.gather [hbm4b:s1+s3], $0x80, v4, vm0, $0xb8;
	[tilespmem:$0x10200] =	vst v63  }
0x75: {  	_ = 	snop  }
0x76: {  	[tilespmem:s10], [sflag:$0x3] =	stream.indirect_vreg.gather [hbm4b:s1+s3], $0x80, v3, vm0, $0xb8;
	[tilespmem:$0x10200] =	vst v63  }
0x77: {  	v3 =	vld [tilespmem:$0x90];
	_ =	sdelay $0x4  }
0x78: {  	v41 =	vshll.u32 v3, $0x1  }
0x79: {  	v3 =	vand.u32 $0x7, v3;
	v4 =	vand.u32 $0xFFFFFFF0, v41  }
0x7a: {  	v3 =	vor.u32 v3, v4  }
0x7b: {  	v4 =	vperm.xlane v3, v0;
	_ =	sdelay $0x1  }
0x7c: {  	v3 =	vperm.xlane v3, v2;
	v4 =	vadd.s32 v1, v4;
	_ =	sdelay $0x1  }
0x7d: {  	v3 =	vadd.s32 v1, v3;
	_ =	sdelay $0x2  }
0x7e: {  	[tilespmem:s11], [sflag:$0x3] =	stream.indirect_vreg.gather [hbm4b:s1+s3], $0x80, v4, vm0, $0xb8;
	[tilespmem:$0x10200] =	vst v63  }
0x7f: {  	_ = 	snop  }
0x80: {  	[tilespmem:s12], [sflag:$0x3] =	stream.indirect_vreg.gather [hbm4b:s1+s3], $0x80, v3, vm0, $0xb8;
	[tilespmem:$0x10200] =	vst v63  }
0x81: {  	v3 =	vld [tilespmem:$0xA0];
	_ =	sdelay $0x4  }
0x82: {  	v42 =	vshll.u32 v3, $0x1  }
0x83: {  	v3 =	vand.u32 $0x7, v3;
	v4 =	vand.u32 $0xFFFFFFF0, v42  }
0x84: {  	v3 =	vor.u32 v3, v4  }
0x85: {  	v4 =	vperm.xlane v3, v0;
	_ =	sdelay $0x1  }
0x86: {  	v3 =	vperm.xlane v3, v2;
	v4 =	vadd.s32 v1, v4;
	_ =	sdelay $0x1  }
0x87: {  	v3 =	vadd.s32 v1, v3;
	_ =	sdelay $0x2  }
0x88: {  	[tilespmem:s13], [sflag:$0x3] =	stream.indirect_vreg.gather [hbm4b:s1+s3], $0x80, v4, vm0, $0xb8;
	[tilespmem:$0x10200] =	vst v63  }
0x89: {  	s7 =	simm.s32 $0xAA00  }
0x8a: {  	[tilespmem:s7], [sflag:$0x3] =	stream.indirect_vreg.gather [hbm4b:s1+s3], $0x80, v3, vm0, $0xb8;
	[tilespmem:$0x10200] =	vst v63  }
0x8b: {  	v3 =	vld [tilespmem:$0xB0];
	_ =	sdelay $0x4  }
0x8c: {  	v43 =	vshll.u32 v3, $0x1  }
0x8d: {  	v3 =	vand.u32 $0x7, v3;
	v4 =	vand.u32 $0xFFFFFFF0, v43  }
0x8e: {  	v3 =	vor.u32 v3, v4  }
0x8f: {  	v4 =	vperm.xlane v3, v0;
	_ =	sdelay $0x1  }
0x90: {  	v3 =	vperm.xlane v3, v2;
	v4 =	vadd.s32 v1, v4;
	_ =	sdelay $0x1  }
0x91: {  	v3 =	vadd.s32 v1, v3;
	_ =	sdelay $0x2  }
0x92: {  	[tilespmem:s14], [sflag:$0x3] =	stream.indirect_vreg.gather [hbm4b:s1+s3], $0x80, v4, vm0, $0xb8;
	[tilespmem:$0x10200] =	vst v63  }
0x93: {  	_ = 	snop  }
0x94: {  	[tilespmem:s15], [sflag:$0x3] =	stream.indirect_vreg.gather [hbm4b:s1+s3], $0x80, v3, vm0, $0xb8;
	[tilespmem:$0x10200] =	vst v63  }
0x95: {  	v3 =	vld [tilespmem:$0xC0];
	_ =	sdelay $0x4  }
0x96: {  	v44 =	vshll.u32 v3, $0x1  }
0x97: {  	v3 =	vand.u32 $0x7, v3;
	v4 =	vand.u32 $0xFFFFFFF0, v44  }
0x98: {  	v3 =	vor.u32 v3, v4  }
0x99: {  	v4 =	vperm.xlane v3, v0;
	_ =	sdelay $0x1  }
0x9a: {  	v3 =	vperm.xlane v3, v2;
	v4 =	vadd.s32 v1, v4;
	_ =	sdelay $0x1  }
0x9b: {  	v3 =	vadd.s32 v1, v3;
	_ =	sdelay $0x2  }
0x9c: {  	[tilespmem:s16], [sflag:$0x4] =	stream.indirect_vreg.gather [hbm4b:s1+s3], $0x80, v4, vm0, $0xb8;
	[tilespmem:$0x10200] =	vst v63  }
0x9d: {  	s18 =	simm.s32 $0xCA00  }
0x9e: {  	[tilespmem:s18], [sflag:$0x4] =	stream.indirect_vreg.gather [hbm4b:s1+s3], $0x80, v3, vm0, $0xb8;
	[tilespmem:$0x10200] =	vst v63  }
0x9f: {  	v3 =	vld [tilespmem:$0xD0];
	_ =	sdelay $0x4  }
0xa0: {  	v45 =	vshll.u32 v3, $0x1  }
0xa1: {  	v3 =	vand.u32 $0x7, v3;
	v4 =	vand.u32 $0xFFFFFFF0, v45  }
0xa2: {  	v3 =	vor.u32 v3, v4  }
0xa3: {  	v4 =	vperm.xlane v3, v0;
	_ =	sdelay $0x1  }
0xa4: {  	v3 =	vperm.xlane v3, v2;
	v4 =	vadd.s32 v1, v4;
	_ =	sdelay $0x1  }
0xa5: {  	v3 =	vadd.s32 v1, v3;
	_ =	sdelay $0x1  }
0xa6: {  	s18 =	simm.s32 $0xD200  }
0xa7: {  	[tilespmem:s18], [sflag:$0x4] =	stream.indirect_vreg.gather [hbm4b:s1+s3], $0x80, v4, vm0, $0xb8;
	[tilespmem:$0x10200] =	vst v63  }
0xa8: {  	s18 =	simm.s32 $0xDA00  }
0xa9: {  	[tilespmem:s18], [sflag:$0x4] =	stream.indirect_vreg.gather [hbm4b:s1+s3], $0x80, v3, vm0, $0xb8;
	[tilespmem:$0x10200] =	vst v63  }
0xaa: {  	v3 =	vld [tilespmem:$0xE0];
	_ =	sdelay $0x4  }
0xab: {  	v46 =	vshll.u32 v3, $0x1  }
0xac: {  	v3 =	vand.u32 $0x7, v3;
	v4 =	vand.u32 $0xFFFFFFF0, v46  }
0xad: {  	v3 =	vor.u32 v3, v4  }
0xae: {  	v4 =	vperm.xlane v3, v0;
	_ =	sdelay $0x1  }
0xaf: {  	v3 =	vperm.xlane v3, v2;
	v4 =	vadd.s32 v1, v4;
	_ =	sdelay $0x1  }
0xb0: {  	v3 =	vadd.s32 v1, v3;
	_ =	sdelay $0x1  }
0xb1: {  	s18 =	simm.s32 $0xE200  }
0xb2: {  	[tilespmem:s18], [sflag:$0x4] =	stream.indirect_vreg.gather [hbm4b:s1+s3], $0x80, v4, vm0, $0xb8;
	[tilespmem:$0x10200] =	vst v63  }
0xb3: {  	s18 =	simm.s32 $0xEA00  }
0xb4: {  	[tilespmem:s18], [sflag:$0x4] =	stream.indirect_vreg.gather [hbm4b:s1+s3], $0x80, v3, vm0, $0xb8;
	[tilespmem:$0x10200] =	vst v63  }
0xb5: {  	v3 =	vld [tilespmem:$0xF0];
	_ =	sdelay $0x4  }
0xb6: {  	v47 =	vshll.u32 v3, $0x1  }
0xb7: {  	v3 =	vand.u32 $0x7, v3;
	v4 =	vand.u32 $0xFFFFFFF0, v47  }
0xb8: {  	v3 =	vor.u32 v3, v4  }
0xb9: {  	v4 =	vperm.xlane v3, v0;
	_ =	sdelay $0x1  }
0xba: {  	v3 =	vperm.xlane v3, v2;
	v4 =	vadd.s32 v1, v4;
	_ =	sdelay $0x1  }
0xbb: {  	v3 =	vadd.s32 v1, v3;
	_ =	sdelay $0x1  }
0xbc: {  	s18 =	simm.s32 $0xF200  }
0xbd: {  	[tilespmem:s18], [sflag:$0x4] =	stream.indirect_vreg.gather [hbm4b:s1+s3], $0x80, v4, vm0, $0xb8;
	[tilespmem:$0x10200] =	vst v63  }
0xbe: {  	s18 =	simm.s32 $0xFA00  }
0xbf: {  	[tilespmem:s18], [sflag:$0x4] =	stream.indirect_vreg.gather [hbm4b:s1+s3], $0x80, v3, vm0, $0xb8;
	[tilespmem:$0x10200] =	vst v63  }
0xc0: {  	_ =	swait.ge [sflag:s17], $0x4000  }
0xc1: {  	[sflag:s17] =	ssyncset.done $0x0  }
0xc2: {  	s18 =	simm.s32 $0x200;
	s7 =	rddreg [dreg:$0xc];
	[sflag:s17] =	ssyncadd.s32 $0xFFFFC000  }
0xc3: {  	[hbm4b:s7+s3] =	stream.linear.scatter [tilespmem:s18], [sflag:$0x5], $0x4000, $0x38;
	[tilespmem:$0x10200] =	vst v63  }
0xc4: {  	_ =	swait.ge [sflag:s6], $0x4000  }
0xc5: {  	[sflag:s6] =	ssyncset.done $0x0  }
0xc6: {  	[sflag:s6] =	ssyncadd.s32 $0xFFFFC000  }
0xc7: {  	v3 =	vld [tilespmem:$0x100];
	_ =	sdelay $0x4  }
0xc8: {  	v48 =	vshll.u32 v3, $0x1  }
0xc9: {  	v3 =	vand.u32 $0x7, v3;
	v4 =	vand.u32 $0xFFFFFFF0, v48  }
0xca: {  	v3 =	vor.u32 v3, v4  }
0xcb: {  	v4 =	vperm.xlane v3, v0;
	_ =	sdelay $0x1  }
0xcc: {  	v3 =	vperm.xlane v3, v2;
	v4 =	vadd.s32 v1, v4;
	_ =	sdelay $0x1  }
0xcd: {  	v3 =	vadd.s32 v1, v3;
	_ =	sdelay $0x2  }
0xce: {  	[tilespmem:s18], [sflag:$0x1] =	stream.indirect_vreg.gather [hbm4b:s1+s3], $0x80, v4, vm0, $0xb8;
	[tilespmem:$0x10200] =	vst v63  }
0xcf: {  	_ = 	snop  }
0xd0: {  	[tilespmem:s19], [sflag:$0x1] =	stream.indirect_vreg.gather [hbm4b:s1+s3], $0x80, v3, vm0, $0xb8;
	[tilespmem:$0x10200] =	vst v63  }
0xd1: {  	v3 =	vld [tilespmem:$0x110];
	_ =	sdelay $0x4  }
0xd2: {  	v49 =	vshll.u32 v3, $0x1  }
0xd3: {  	v3 =	vand.u32 $0x7, v3;
	v4 =	vand.u32 $0xFFFFFFF0, v49  }
0xd4: {  	v3 =	vor.u32 v3, v4  }
0xd5: {  	v4 =	vperm.xlane v3, v0;
	_ =	sdelay $0x1  }
0xd6: {  	v3 =	vperm.xlane v3, v2;
	v4 =	vadd.s32 v1, v4;
	_ =	sdelay $0x1  }
0xd7: {  	v3 =	vadd.s32 v1, v3;
	_ =	sdelay $0x2  }
0xd8: {  	[tilespmem:s20], [sflag:$0x1] =	stream.indirect_vreg.gather [hbm4b:s1+s3], $0x80, v4, vm0, $0xb8;
	[tilespmem:$0x10200] =	vst v63  }
0xd9: {  	_ = 	snop  }
0xda: {  	[tilespmem:s21], [sflag:$0x1] =	stream.indirect_vreg.gather [hbm4b:s1+s3], $0x80, v3, vm0, $0xb8;
	[tilespmem:$0x10200] =	vst v63  }
0xdb: {  	v3 =	vld [tilespmem:$0x120];
	_ =	sdelay $0x4  }
0xdc: {  	v50 =	vshll.u32 v3, $0x1  }
0xdd: {  	v3 =	vand.u32 $0x7, v3;
	v4 =	vand.u32 $0xFFFFFFF0, v50  }
0xde: {  	v3 =	vor.u32 v3, v4  }
0xdf: {  	v4 =	vperm.xlane v3, v0;
	_ =	sdelay $0x1  }
0xe0: {  	v3 =	vperm.xlane v3, v2;
	v4 =	vadd.s32 v1, v4;
	_ =	sdelay $0x1  }
0xe1: {  	v3 =	vadd.s32 v1, v3;
	_ =	sdelay $0x2  }
0xe2: {  	[tilespmem:s22], [sflag:$0x1] =	stream.indirect_vreg.gather [hbm4b:s1+s3], $0x80, v4, vm0, $0xb8;
	[tilespmem:$0x10200] =	vst v63  }
0xe3: {  	_ = 	snop  }
0xe4: {  	[tilespmem:s24], [sflag:$0x1] =	stream.indirect_vreg.gather [hbm4b:s1+s3], $0x80, v3, vm0, $0xb8;
	[tilespmem:$0x10200] =	vst v63  }
0xe5: {  	v3 =	vld [tilespmem:$0x130];
	_ =	sdelay $0x4  }
0xe6: {  	v51 =	vshll.u32 v3, $0x1  }
0xe7: {  	v3 =	vand.u32 $0x7, v3;
	v4 =	vand.u32 $0xFFFFFFF0, v51  }
0xe8: {  	v3 =	vor.u32 v3, v4  }
0xe9: {  	v4 =	vperm.xlane v3, v0;
	_ =	sdelay $0x1  }
0xea: {  	v3 =	vperm.xlane v3, v2;
	v4 =	vadd.s32 v1, v4;
	_ =	sdelay $0x1  }
0xeb: {  	v3 =	vadd.s32 v1, v3;
	_ =	sdelay $0x2  }
0xec: {  	[tilespmem:s25], [sflag:$0x1] =	stream.indirect_vreg.gather [hbm4b:s1+s3], $0x80, v4, vm0, $0xb8;
	[tilespmem:$0x10200] =	vst v63  }
0xed: {  	s7 =	simm.s32 $0x2  }
0xee: {  	[tilespmem:s26], [sflag:$0x1] =	stream.indirect_vreg.gather [hbm4b:s1+s3], $0x80, v3, vm0, $0xb8;
	[tilespmem:$0x10200] =	vst v63  }
0xef: {  	_ =	swait.ge [sflag:s7], $0x4000  }
0xf0: {  	[sflag:s7] =	ssyncset.done $0x0  }
0xf1: {  	s19 =	rddreg [dreg:$0x5];
	[sflag:s7] =	ssyncadd.s32 $0xFFFFC000  }
0xf2: {  	[hbm4b:s19+s3] =	stream.linear.scatter [tilespmem:s23], [sflag:$0x5], $0x4000, $0x38;
	[tilespmem:$0x10200] =	vst v63  }
0xf3: {  	_ =	swait.ge [sflag:s6], $0x4000  }
0xf4: {  	[sflag:s6] =	ssyncset.done $0x0  }
0xf5: {  	[sflag:s6] =	ssyncadd.s32 $0xFFFFC000  }
0xf6: {  	v3 =	vld [tilespmem:$0x140];
	_ =	sdelay $0x4  }
0xf7: {  	v52 =	vshll.u32 v3, $0x1  }
0xf8: {  	v3 =	vand.u32 $0x7, v3;
	v4 =	vand.u32 $0xFFFFFFF0, v52  }
0xf9: {  	v3 =	vor.u32 v3, v4  }
0xfa: {  	v4 =	vperm.xlane v3, v0;
	_ =	sdelay $0x1  }
0xfb: {  	v3 =	vperm.xlane v3, v2;
	v4 =	vadd.s32 v1, v4;
	_ =	sdelay $0x1  }
0xfc: {  	v3 =	vadd.s32 v1, v3;
	_ =	sdelay $0x2  }
0xfd: {  	[tilespmem:s23], [sflag:$0x2] =	stream.indirect_vreg.gather [hbm4b:s1+s3], $0x80, v4, vm0, $0xb8;
	[tilespmem:$0x10200] =	vst v63  }
0xfe: {  	_ = 	snop  }
0xff: {  	[tilespmem:s28], [sflag:$0x2] =	stream.indirect_vreg.gather [hbm4b:s1+s3], $0x80, v3, vm0, $0xb8;
	[tilespmem:$0x10200] =	vst v63  }
0x100: {  	v3 =	vld [tilespmem:$0x150];
	_ =	sdelay $0x4  }
0x101: {  	v53 =	vshll.u32 v3, $0x1  }
0x102: {  	v3 =	vand.u32 $0x7, v3;
	v4 =	vand.u32 $0xFFFFFFF0, v53  }
0x103: {  	v3 =	vor.u32 v3, v4  }
0x104: {  	v4 =	vperm.xlane v3, v0;
	_ =	sdelay $0x1  }
0x105: {  	v3 =	vperm.xlane v3, v2;
	v4 =	vadd.s32 v1, v4;
	_ =	sdelay $0x1  }
0x106: {  	v3 =	vadd.s32 v1, v3;
	_ =	sdelay $0x2  }
0x107: {  	[tilespmem:s29], [sflag:$0x2] =	stream.indirect_vreg.gather [hbm4b:s1+s3], $0x80, v4, vm0, $0xb8;
	[tilespmem:$0x10200] =	vst v63  }
0x108: {  	_ = 	snop  }
0x109: {  	[tilespmem:s30], [sflag:$0x2] =	stream.indirect_vreg.gather [hbm4b:s1+s3], $0x80, v3, vm0, $0xb8;
	[tilespmem:$0x10200] =	vst v63  }
0x10a: {  	v3 =	vld [tilespmem:$0x160];
	_ =	sdelay $0x4  }
0x10b: {  	v54 =	vshll.u32 v3, $0x1  }
0x10c: {  	v3 =	vand.u32 $0x7, v3;
	v4 =	vand.u32 $0xFFFFFFF0, v54  }
0x10d: {  	v3 =	vor.u32 v3, v4  }
0x10e: {  	v4 =	vperm.xlane v3, v0;
	_ =	sdelay $0x1  }
0x10f: {  	v3 =	vperm.xlane v3, v2;
	v4 =	vadd.s32 v1, v4;
	_ =	sdelay $0x1  }
0x110: {  	v3 =	vadd.s32 v1, v3;
	_ =	sdelay $0x2  }
0x111: {  	[tilespmem:s31], [sflag:$0x2] =	stream.indirect_vreg.gather [hbm4b:s1+s3], $0x80, v4, vm0, $0xb8;
	[tilespmem:$0x10200] =	vst v63  }
0x112: {  	_ = 	snop  }
0x113: {  	[tilespmem:s0], [sflag:$0x2] =	stream.indirect_vreg.gather [hbm4b:s1+s3], $0x80, v3, vm0, $0xb8;
	[tilespmem:$0x10200] =	vst v63  }
0x114: {  	v3 =	vld [tilespmem:$0x170];
	_ =	sdelay $0x4  }
0x115: {  	v55 =	vshll.u32 v3, $0x1  }
0x116: {  	v3 =	vand.u32 $0x7, v3;
	v4 =	vand.u32 $0xFFFFFFF0, v55  }
0x117: {  	v3 =	vor.u32 v3, v4  }
0x118: {  	v4 =	vperm.xlane v3, v0;
	_ =	sdelay $0x1  }
0x119: {  	v3 =	vperm.xlane v3, v2;
	v4 =	vadd.s32 v1, v4;
	_ =	sdelay $0x1  }
0x11a: {  	v3 =	vadd.s32 v1, v3;
	_ =	sdelay $0x2  }
0x11b: {  	[tilespmem:s8], [sflag:$0x2] =	stream.indirect_vreg.gather [hbm4b:s1+s3], $0x80, v4, vm0, $0xb8;
	[tilespmem:$0x10200] =	vst v63  }
0x11c: {  	s0 =	simm.s32 $0x3  }
0x11d: {  	[tilespmem:s9], [sflag:$0x2] =	stream.indirect_vreg.gather [hbm4b:s1+s3], $0x80, v3, vm0, $0xb8;
	[tilespmem:$0x10200] =	vst v63  }
0x11e: {  	_ =	swait.ge [sflag:s0], $0x4000  }
0x11f: {  	[sflag:s0] =	ssyncset.done $0x0  }
0x120: {  	s8 =	rddreg [dreg:$0x6];
	[sflag:s0] =	ssyncadd.s32 $0xFFFFC000  }
0x121: {  	[hbm4b:s8+s3] =	stream.linear.scatter [tilespmem:s2], [sflag:$0x5], $0x4000, $0x38;
	[tilespmem:$0x10200] =	vst v63  }
0x122: {  	_ =	swait.ge [sflag:s6], $0x4000  }
0x123: {  	[sflag:s6] =	ssyncset.done $0x0  }
0x124: {  	[sflag:s6] =	ssyncadd.s32 $0xFFFFC000  }
0x125: {  	v3 =	vld [tilespmem:$0x180];
	_ =	sdelay $0x4  }
0x126: {  	v56 =	vshll.u32 v3, $0x1  }
0x127: {  	v3 =	vand.u32 $0x7, v3;
	v4 =	vand.u32 $0xFFFFFFF0, v56  }
0x128: {  	v3 =	vor.u32 v3, v4  }
0x129: {  	v4 =	vperm.xlane v3, v0;
	_ =	sdelay $0x1  }
0x12a: {  	v3 =	vperm.xlane v3, v2;
	v4 =	vadd.s32 v1, v4;
	_ =	sdelay $0x1  }
0x12b: {  	v3 =	vadd.s32 v1, v3;
	_ =	sdelay $0x2  }
0x12c: {  	[tilespmem:s2], [sflag:$0x3] =	stream.indirect_vreg.gather [hbm4b:s1+s3], $0x80, v4, vm0, $0xb8;
	[tilespmem:$0x10200] =	vst v63  }
0x12d: {  	_ = 	snop  }
0x12e: {  	[tilespmem:s10], [sflag:$0x3] =	stream.indirect_vreg.gather [hbm4b:s1+s3], $0x80, v3, vm0, $0xb8;
	[tilespmem:$0x10200] =	vst v63  }
0x12f: {  	v3 =	vld [tilespmem:$0x190];
	_ =	sdelay $0x4  }
0x130: {  	v57 =	vshll.u32 v3, $0x1  }
0x131: {  	v3 =	vand.u32 $0x7, v3;
	v4 =	vand.u32 $0xFFFFFFF0, v57  }
0x132: {  	v3 =	vor.u32 v3, v4  }
0x133: {  	v4 =	vperm.xlane v3, v0;
	_ =	sdelay $0x1  }
0x134: {  	v3 =	vperm.xlane v3, v2;
	v4 =	vadd.s32 v1, v4;
	_ =	sdelay $0x1  }
0x135: {  	v3 =	vadd.s32 v1, v3;
	_ =	sdelay $0x2  }
0x136: {  	[tilespmem:s11], [sflag:$0x3] =	stream.indirect_vreg.gather [hbm4b:s1+s3], $0x80, v4, vm0, $0xb8;
	[tilespmem:$0x10200] =	vst v63  }
0x137: {  	_ = 	snop  }
0x138: {  	[tilespmem:s12], [sflag:$0x3] =	stream.indirect_vreg.gather [hbm4b:s1+s3], $0x80, v3, vm0, $0xb8;
	[tilespmem:$0x10200] =	vst v63  }
0x139: {  	v3 =	vld [tilespmem:$0x1A0];
	_ =	sdelay $0x4  }
0x13a: {  	v58 =	vshll.u32 v3, $0x1  }
0x13b: {  	v3 =	vand.u32 $0x7, v3;
	v4 =	vand.u32 $0xFFFFFFF0, v58  }
0x13c: {  	v3 =	vor.u32 v3, v4  }
0x13d: {  	v4 =	vperm.xlane v3, v0;
	_ =	sdelay $0x1  }
0x13e: {  	v3 =	vperm.xlane v3, v2;
	v4 =	vadd.s32 v1, v4;
	_ =	sdelay $0x1  }
0x13f: {  	v3 =	vadd.s32 v1, v3;
	_ =	sdelay $0x2  }
0x140: {  	[tilespmem:s13], [sflag:$0x3] =	stream.indirect_vreg.gather [hbm4b:s1+s3], $0x80, v4, vm0, $0xb8;
	[tilespmem:$0x10200] =	vst v63  }
0x141: {  	s19 =	simm.s32 $0xAA00  }
0x142: {  	[tilespmem:s19], [sflag:$0x3] =	stream.indirect_vreg.gather [hbm4b:s1+s3], $0x80, v3, vm0, $0xb8;
	[tilespmem:$0x10200] =	vst v63  }
0x143: {  	v3 =	vld [tilespmem:$0x1B0];
	_ =	sdelay $0x4  }
0x144: {  	v59 =	vshll.u32 v3, $0x1  }
0x145: {  	v3 =	vand.u32 $0x7, v3;
	v4 =	vand.u32 $0xFFFFFFF0, v59  }
0x146: {  	v3 =	vor.u32 v3, v4  }
0x147: {  	v4 =	vperm.xlane v3, v0;
	_ =	sdelay $0x1  }
0x148: {  	v3 =	vperm.xlane v3, v2;
	v4 =	vadd.s32 v1, v4;
	_ =	sdelay $0x1  }
0x149: {  	v3 =	vadd.s32 v1, v3;
	_ =	sdelay $0x2  }
0x14a: {  	[tilespmem:s14], [sflag:$0x3] =	stream.indirect_vreg.gather [hbm4b:s1+s3], $0x80, v4, vm0, $0xb8;
	[tilespmem:$0x10200] =	vst v63  }
0x14b: {  	_ = 	snop  }
0x14c: {  	[tilespmem:s15], [sflag:$0x3] =	stream.indirect_vreg.gather [hbm4b:s1+s3], $0x80, v3, vm0, $0xb8;
	[tilespmem:$0x10200] =	vst v63  }
0x14d: {  	_ =	swait.ge [sflag:s4], $0x4000  }
0x14e: {  	[sflag:s4] =	ssyncset.done $0x0  }
0x14f: {  	s8 =	rddreg [dreg:$0x7];
	[sflag:s4] =	ssyncadd.s32 $0xFFFFC000  }
0x150: {  	[hbm4b:s8+s3] =	stream.linear.scatter [tilespmem:s16], [sflag:$0x5], $0x4000, $0x38;
	[tilespmem:$0x10200] =	vst v63  }
0x151: {  	_ =	swait.ge [sflag:s6], $0x4000  }
0x152: {  	[sflag:s6] =	ssyncset.done $0x0  }
0x153: {  	[sflag:s6] =	ssyncadd.s32 $0xFFFFC000  }
0x154: {  	v3 =	vld [tilespmem:$0x1C0];
	_ =	sdelay $0x4  }
0x155: {  	v60 =	vshll.u32 v3, $0x1  }
0x156: {  	v3 =	vand.u32 $0x7, v3;
	v4 =	vand.u32 $0xFFFFFFF0, v60  }
0x157: {  	v3 =	vor.u32 v3, v4  }
0x158: {  	v4 =	vperm.xlane v3, v0;
	_ =	sdelay $0x1  }
0x159: {  	v3 =	vperm.xlane v3, v2;
	v4 =	vadd.s32 v1, v4;
	_ =	sdelay $0x1  }
0x15a: {  	v3 =	vadd.s32 v1, v3;
	_ =	sdelay $0x2  }
0x15b: {  	[tilespmem:s16], [sflag:$0x4] =	stream.indirect_vreg.gather [hbm4b:s1+s3], $0x80, v4, vm0, $0xb8;
	[tilespmem:$0x10200] =	vst v63  }
0x15c: {  	s19 =	simm.s32 $0xCA00  }
0x15d: {  	[tilespmem:s19], [sflag:$0x4] =	stream.indirect_vreg.gather [hbm4b:s1+s3], $0x80, v3, vm0, $0xb8;
	[tilespmem:$0x10200] =	vst v63  }
0x15e: {  	v3 =	vld [tilespmem:$0x1D0];
	_ =	sdelay $0x4  }
0x15f: {  	v61 =	vshll.u32 v3, $0x1  }
0x160: {  	v3 =	vand.u32 $0x7, v3;
	v4 =	vand.u32 $0xFFFFFFF0, v61  }
0x161: {  	v3 =	vor.u32 v3, v4  }
0x162: {  	v4 =	vperm.xlane v3, v0;
	_ =	sdelay $0x1  }
0x163: {  	v3 =	vperm.xlane v3, v2;
	v4 =	vadd.s32 v1, v4;
	_ =	sdelay $0x1  }
0x164: {  	v3 =	vadd.s32 v1, v3;
	_ =	sdelay $0x1  }
0x165: {  	s19 =	simm.s32 $0xD200  }
0x166: {  	[tilespmem:s19], [sflag:$0x4] =	stream.indirect_vreg.gather [hbm4b:s1+s3], $0x80, v4, vm0, $0xb8;
	[tilespmem:$0x10200] =	vst v63  }
0x167: {  	s19 =	simm.s32 $0xDA00  }
0x168: {  	[tilespmem:s19], [sflag:$0x4] =	stream.indirect_vreg.gather [hbm4b:s1+s3], $0x80, v3, vm0, $0xb8;
	[tilespmem:$0x10200] =	vst v63  }
0x169: {  	v3 =	vld [tilespmem:$0x1E0];
	_ =	sdelay $0x4  }
0x16a: {  	v62 =	vshll.u32 v3, $0x1  }
0x16b: {  	v3 =	vand.u32 $0x7, v3;
	v4 =	vand.u32 $0xFFFFFFF0, v62  }
0x16c: {  	v3 =	vor.u32 v3, v4  }
0x16d: {  	v4 =	vperm.xlane v3, v0;
	_ =	sdelay $0x1  }
0x16e: {  	v3 =	vperm.xlane v3, v2;
	v4 =	vadd.s32 v1, v4;
	_ =	sdelay $0x1  }
0x16f: {  	v3 =	vadd.s32 v1, v3;
	_ =	sdelay $0x1  }
0x170: {  	s19 =	simm.s32 $0xE200  }
0x171: {  	[tilespmem:s19], [sflag:$0x4] =	stream.indirect_vreg.gather [hbm4b:s1+s3], $0x80, v4, vm0, $0xb8;
	[tilespmem:$0x10200] =	vst v63  }
0x172: {  	s19 =	simm.s32 $0xEA00  }
0x173: {  	[tilespmem:s19], [sflag:$0x4] =	stream.indirect_vreg.gather [hbm4b:s1+s3], $0x80, v3, vm0, $0xb8;
	[tilespmem:$0x10200] =	vst v63  }
0x174: {  	v3 =	vld [tilespmem:$0x1F0];
	_ =	sdelay $0x4  }
0x175: {  	v63 =	vshll.u32 v3, $0x1  }
0x176: {  	v3 =	vand.u32 $0x7, v3;
	v4 =	vand.u32 $0xFFFFFFF0, v63  }
0x177: {  	v3 =	vor.u32 v3, v4  }
0x178: {  	v4 =	vperm.xlane v3, v0;
	_ =	sdelay $0x1  }
0x179: {  	v3 =	vperm.xlane v3, v2;
	v4 =	vadd.s32 v1, v4;
	_ =	sdelay $0x1  }
0x17a: {  	v3 =	vadd.s32 v1, v3;
	_ =	sdelay $0x1  }
0x17b: {  	s19 =	simm.s32 $0xF200  }
0x17c: {  	[tilespmem:s19], [sflag:$0x4] =	stream.indirect_vreg.gather [hbm4b:s1+s3], $0x80, v4, vm0, $0xb8;
	[tilespmem:$0x10200] =	vst v63  }
0x17d: {  	s19 =	simm.s32 $0xFA00  }
0x17e: {  	[tilespmem:s19], [sflag:$0x4] =	stream.indirect_vreg.gather [hbm4b:s1+s3], $0x80, v3, vm0, $0xb8;
	[tilespmem:$0x10200] =	vst v63  }
0x17f: {  	_ =	swait.ge [sflag:s17], $0x4000  }
0x180: {  	[sflag:s17] =	ssyncset.done $0x0  }
0x181: {  	s18 =	simm.s32 $0x200;
	s8 =	rddreg [dreg:$0x8];
	[sflag:s17] =	ssyncadd.s32 $0xFFFFC000  }
0x182: {  	[hbm4b:s8+s3] =	stream.linear.scatter [tilespmem:s18], [sflag:$0x5], $0x4000, $0x38;
	[tilespmem:$0x10200] =	vst v63  }
0x183: {  	_ =	swait.ge [sflag:s6], $0x4000  }
0x184: {  	[sflag:s6] =	ssyncset.done $0x0  }
0x185: {  	[sflag:s6] =	ssyncadd.s32 $0xFFFFC000  }
0x186: {  	_ =	swait.ge [sflag:s7], $0x4000  }
0x187: {  	[sflag:s7] =	ssyncset.done $0x0  }
0x188: {  	s18 =	rddreg [dreg:$0x9];
	[sflag:s7] =	ssyncadd.s32 $0xFFFFC000  }
0x189: {  	[hbm4b:s18+s3] =	stream.linear.scatter [tilespmem:s23], [sflag:$0x5], $0x4000, $0x38;
	[tilespmem:$0x10200] =	vst v63  }
0x18a: {  	_ =	swait.ge [sflag:s6], $0x4000  }
0x18b: {  	[sflag:s6] =	ssyncset.done $0x0  }
0x18c: {  	[sflag:s6] =	ssyncadd.s32 $0xFFFFC000  }
0x18d: {  	_ =	swait.ge [sflag:s0], $0x4000  }
0x18e: {  	[sflag:s0] =	ssyncset.done $0x0  }
0x18f: {  	s8 =	rddreg [dreg:$0xa];
	[sflag:s0] =	ssyncadd.s32 $0xFFFFC000  }
0x190: {  	[hbm4b:s8+s3] =	stream.linear.scatter [tilespmem:s2], [sflag:$0x5], $0x4000, $0x38;
	[tilespmem:$0x10200] =	vst v63  }
0x191: {  	_ =	swait.ge [sflag:s6], $0x4000  }
0x192: {  	[sflag:s6] =	ssyncset.done $0x0  }
0x193: {  	[sflag:s6] =	ssyncadd.s32 $0xFFFFC000  }
0x194: {  	_ =	swait.ge [sflag:s4], $0x4000  }
0x195: {  	p0 =	sne.s32 s5, $0x1;
	[sflag:s4] =	ssyncset.done $0x0  }
.Ltmp0:
0x196: {  	s18 =	rddreg [dreg:$0xb];
	[sflag:s4] =	ssyncadd.s32 $0xFFFFC000;
	(pc) =	sbr.rel @p0 .LBB2_1-.Ltmp0, $4  }
0x197: {  	[hbm4b:s18+s3] =	stream.linear.scatter [tilespmem:s16], [sflag:$0x5], $0x4000, $0x38;
	[tilespmem:$0x10200] =	vst v63  }
0x198: {  	_ =	swait.ge [sflag:s6], $0x4000  }
0x199: {  	[sflag:s6] =	ssyncset.done $0x0  }
0x19a: {  	s5 =	sadd.s32 $0xFFFFFFFF, s5;
	[sflag:s6] =	ssyncadd.s32 $0xFFFFC000  }
0x19b: {  	_ =	sfence.sel $0x180000  }
0x19c: {  	[bflag:$0x0] =	sbarrier.arrive $0xFFFF  }
0x19d: {  	_ =	strace $0x90000047  }
0x19e: {  	s0 =	stileid.u32;
	[bflag:$0x2] =	sbarrier.arrive $0xFFFF  }
0x19f: {  	p0 =	sne.s32 s0, $0x0;
	s0 =	rddreg [dreg:$0x3]  }
0x1a0: {  	s0 =	sadd.s32 @!p0 $0x100000, s0  }
0x1a1: {  	[sflag:s0] =	ssyncadd.tile.s32 @!p0 $0x1;
	_ =	shalt  }
.Lfunc_end2:
_tile_overlayer_lowered:
.L_overlay_start_2:
0x1a2: {  	(tag) =	ssettag $0x2  }
0x1a3: {  	s0 =	rddreg [dreg:$0x0];
	s2 =	stileid.u32  }
0x1a4: {  	s1 =	rddreg [dreg:$0x1];
	p0 =	sne.s32 s2, $0x0  }
0x1a5: {  	s3 =	rddreg [dreg:$0x2];
	[bflag:$0x3] =	sbarrier.arrive $0xFFFF;
	s2 =	simm.s32 @!p0 $0x1C05  }
0x1a6: {  	[timem:s3], [sflag:s2] =	dma.local @!p0 [hbm:s0], s1  }
0x1a7: {  	s0 =	simm.s32 @!p0 $0x5  }
0x1a8: {  	_ =	swait.ge @!p0 [sflag:s0], s1  }
0x1a9: {  	s1 =	ssub.s32 @!p0 $0x0, s1;
	[sflag:s0] =	ssyncset.done @!p0 $0x0  }
0x1aa: {  	[sflag:s0] =	ssyncadd.s32 @!p0 s1  }
0x1ab: {  	[bflag:$0x3] =	sbarrier.arrive $0xFFFF  }
0x1ac: {  	_ =	shalt  }

</sc_bundles>
